<compile_context>
chip_gen: v7x
topology: tpu7x:2x2x1
jax: 0.10.2.dev20260603
libtpu: 0.0.44.dev20260713+nightly
codegen_flags: <defaults>
</compile_context>

<pallas_src>
import functools

import jax
import jax.numpy as jnp
from jax import lax
from jax.experimental import pallas as pl
from jax.experimental.pallas import tpu as pltpu
from jax.experimental.pallas import tpu_sc as plsc

E = 8
TOPK = 2
BT = 256
I_BLK = 2048

NC = 2
NS = 16
NW = NC * NS


def _logits_body(x_ref, wg_ref, bg_ref, o_ref):
    o_ref[...] = (
        jax.lax.dot_general(
            x_ref[...], wg_ref[...],
            dimension_numbers=(((1,), (1,)), ((), ())),
            preferred_element_type=jnp.float32,
        )
        + bg_ref[...]
    )


def _gating_logits(x, Wg, bg):
    N, H = x.shape
    TB = 256
    return pl.pallas_call(
        _logits_body,
        grid=(N // TB,),
        in_specs=[
            pl.BlockSpec((TB, H), lambda b: (b, 0)),
            pl.BlockSpec((E, H), lambda b: (0, 0)),
            pl.BlockSpec((1, E), lambda b: (0, 0)),
        ],
        out_specs=pl.BlockSpec((TB, E), lambda b: (b, 0)),
        out_shape=jax.ShapeDtypeStruct((N, E), jnp.float32),
    )(x, Wg, bg.reshape(1, E))


def _sc_gather(x, idx, R, H, dtype=jnp.float32):
    rows_per_w = R // NW
    CH = 40 if rows_per_w % 80 == 0 else 32
    npair = rows_per_w // (2 * CH)
    mesh = plsc.VectorSubcoreMesh(core_axis_name="c", subcore_axis_name="s")

    @functools.partial(
        pl.kernel,
        mesh=mesh,
        out_type=jax.ShapeDtypeStruct((R, H), dtype),
        scratch_types=[
            pltpu.VMEM((rows_per_w,), jnp.int32),
            pltpu.VMEM((CH, H), dtype),
            pltpu.VMEM((CH, H), dtype),
            pltpu.SemaphoreType.DMA,
            pltpu.SemaphoreType.DMA,
        ],
    )
    def gk(x_hbm, idx_hbm, out_hbm, idx_v, buf0, buf1, sem0, sem1):
        wid = lax.axis_index("s") * NC + lax.axis_index("c")
        base = wid * rows_per_w
        pltpu.sync_copy(idx_hbm.at[pl.ds(base, rows_per_w)], idx_v)

        def pair(p, carry):
            offa = p * 2 * CH
            offb = offa + CH
            cpa = pltpu.async_copy(
                x_hbm.at[idx_v.at[pl.ds(offa, CH)]], buf0, sem0)
            cpb = pltpu.async_copy(
                x_hbm.at[idx_v.at[pl.ds(offb, CH)]], buf1, sem1)
            cpa.wait()
            pltpu.sync_copy(buf0, out_hbm.at[pl.ds(base + offa, CH)])
            cpb.wait()
            pltpu.sync_copy(buf1, out_hbm.at[pl.ds(base + offb, CH)])
            return carry

        lax.fori_loop(0, npair, pair, 0)

    return gk(x, idx)


def _grouped_body(be_ref, xs_ref, wg_ref, wu_ref, wd_ref, g_ref, yin_ref,
                  yout_ref, *, ni):
    i = pl.program_id(0)
    xb = xs_ref[...]
    g1 = jax.lax.dot_general(
        xb, wg_ref[0], (((1,), (1,)), ((), ())),
        preferred_element_type=jnp.float32)
    u = jax.lax.dot_general(
        xb, wu_ref[0], (((1,), (1,)), ((), ())),
        preferred_element_type=jnp.float32)
    h = (g1 * jax.nn.sigmoid(g1)) * u
    part = jax.lax.dot_general(
        h, wd_ref[0], (((1,), (1,)), ((), ())),
        preferred_element_type=jnp.float32)
    y = jnp.where(i == 0, part, yin_ref[...] + part)

    @pl.when(i != ni - 1)
    def _acc():
        yout_ref[...] = y

    @pl.when(i == ni - 1)
    def _fin():
        yout_ref[...] = y * g_ref[...]


def _grouped_mlp(block_expert, Xs, Wgate, Wup, Wdown, gates2d, yinit,
                 R, H, I, nb_off, nb_count):
    ni = I // I_BLK
    last = nb_off + nb_count - 1
    grid_spec = pltpu.PrefetchScalarGridSpec(
        num_scalar_prefetch=1,
        grid=(ni, nb_count),
        in_specs=[
            pl.BlockSpec((BT, H), lambda i, b, be: (b, 0)),
            pl.BlockSpec((1, I_BLK, H),
                         lambda i, b, be: (be[b + nb_off], i, 0)),
            pl.BlockSpec((1, I_BLK, H),
                         lambda i, b, be: (be[b + nb_off], i, 0)),
            pl.BlockSpec((1, H, I_BLK),
                         lambda i, b, be: (be[b + nb_off], 0, i)),
            pl.BlockSpec((BT, 1), lambda i, b, be: (b + nb_off, 0)),
            pl.BlockSpec(
                (BT, H),
                lambda i, b, be: (jnp.where(i == 0, last, b + nb_off), 0)),
        ],
        out_specs=pl.BlockSpec((BT, H), lambda i, b, be: (b + nb_off, 0)),
    )
    return pl.pallas_call(
        functools.partial(_grouped_body, ni=ni),
        grid_spec=grid_spec,
        out_shape=jax.ShapeDtypeStruct((R, H), jnp.float32),
        input_output_aliases={6: 0},
        compiler_params=pltpu.CompilerParams(
            dimension_semantics=("arbitrary", "arbitrary"),
            vmem_limit_bytes=100 * 1024 * 1024,
        ),
    )(block_expert, Xs, Wgate, Wup, Wdown, gates2d, yinit)


def _sc_combine(Ys, pos_a, pos_b, N, H):
    tok_per_w = N // NW
    CH = 32
    nchunk = tok_per_w // CH
    nvec = CH * (H // 16)
    mesh = plsc.VectorSubcoreMesh(core_axis_name="c", subcore_axis_name="s")

    @functools.partial(
        pl.kernel,
        mesh=mesh,
        out_type=jax.ShapeDtypeStruct((N, H), jnp.float32),
        scratch_types=[
            pltpu.VMEM((CH,), jnp.int32),
            pltpu.VMEM((CH,), jnp.int32),
            pltpu.VMEM((CH, H), jnp.float32),
            pltpu.VMEM((CH, H), jnp.float32),
            pltpu.SemaphoreType.DMA,
        ],
    )
    def ck(y_hbm, pa_hbm, pb_hbm, out_hbm, ia_v, ib_v, ba_v, bb_v, sem):
        wid = lax.axis_index("s") * NC + lax.axis_index("c")
        base = wid * tok_per_w

        def chunk(c, carry):
            off = base + c * CH
            pltpu.sync_copy(pa_hbm.at[pl.ds(off, CH)], ia_v)
            pltpu.sync_copy(pb_hbm.at[pl.ds(off, CH)], ib_v)
            cpa = pltpu.async_copy(y_hbm.at[ia_v], ba_v, sem)
            cpb = pltpu.async_copy(y_hbm.at[ib_v], bb_v, sem)
            cpa.wait()
            cpb.wait()

            def add16(k, inner):
                r = k // (H // 256)
                col = (k % (H // 256)) * 256
                for off in range(0, 256, 16):
                    ba_v[r, pl.ds(col + off, 16)] = (
                        ba_v[r, pl.ds(col + off, 16)]
                        + bb_v[r, pl.ds(col + off, 16)])
                return inner

            lax.fori_loop(0, nvec // 16, add16, 0)
            pltpu.sync_copy(ba_v, out_hbm.at[pl.ds(off, CH)])
            return carry

        lax.fori_loop(0, nchunk, chunk, 0)

    return ck(Ys, pos_a, pos_b)


def kernel(x, Wg, bg, Wgate, Wup, Wdown):
    N, H = x.shape
    I = Wgate.shape[1]
    R = TOPK * N + E * BT

    logits = _gating_logits(x, Wg, bg)

    l1 = jnp.max(logits, axis=-1)
    i1 = jnp.argmax(logits, axis=-1).astype(jnp.int32)
    eids = jnp.arange(E, dtype=jnp.int32)
    masked = jnp.where(eids[None, :] == i1[:, None], -jnp.inf, logits)
    l2 = jnp.max(masked, axis=-1)
    i2 = jnp.argmax(masked, axis=-1).astype(jnp.int32)

    experts_flat = jnp.concatenate([i1, i2])
    gates_flat = jnp.concatenate([l1, l2])
    tokens_flat = jnp.concatenate(
        [jnp.arange(N, dtype=jnp.int32)] * 2)
    oh = (experts_flat[:, None] == eids[None, :]).astype(jnp.int32)
    csum = jnp.cumsum(oh, axis=0)
    rank = jnp.take_along_axis(csum, experts_flat[:, None], axis=1)[:, 0] - 1
    counts = csum[-1]
    padded = ((counts + BT - 1) // BT) * BT
    starts = jnp.concatenate(
        [jnp.zeros((1,), jnp.int32),
         jnp.cumsum(padded)[:-1].astype(jnp.int32)])
    pos = (starts[experts_flat] + rank).astype(jnp.int32)

    tok_sorted = jnp.zeros((R,), jnp.int32).at[pos].set(tokens_flat)
    gate_sorted = jnp.zeros((R,), jnp.float32).at[pos].set(gates_flat)
    NB = R // BT
    blk_rows = jnp.arange(NB, dtype=jnp.int32) * BT
    block_expert = jnp.clip(
        jnp.sum(blk_rows[:, None] >= starts[None, :], axis=1) - 1,
        0, E - 1).astype(jnp.int32)

    R2 = R // 2
    NBh = (R // BT) // 2
    gates2d = gate_sorted.reshape(R, 1)
    Xs1 = _sc_gather(x, tok_sorted[:R2], R2, H)
    Xs2 = _sc_gather(x, tok_sorted[R2:], R2, H)
    Y1 = _grouped_mlp(block_expert, Xs1, Wgate, Wup, Wdown, gates2d,
                      jnp.zeros((R, H), jnp.float32), R, H, I, 0, NBh)
    Ys = _grouped_mlp(block_expert, Xs2, Wgate, Wup, Wdown, gates2d,
                      Y1, R, H, I, NBh, NBh)
    final = _sc_combine(Ys, pos[:N], pos[N:], N, H)
    return (final, logits)

# --- scband reference (transcript-rebuilt; emitter-appended) ---
"""Pipeline reference for scband-moe-90735479095717 (READ-ONLY COPY).

The authoritative reference and input builder live on the scoring server;
editing this copy changes nothing except your own understanding.
"""

import jax, jax.numpy as jnp
import numpy as np

E = 8
TOPK = 2
H = 1024
I = 4096
N = 4096


def setup_inputs(seed: int = 0) -> dict:
    key = jax.random.key(seed)
    ks = jax.random.split(key, 6)
    x = jax.random.normal(ks[0], (N, H), dtype=jnp.float32)
    Wg = jax.random.normal(ks[1], (E, H), dtype=jnp.float32) * 0.02
    bg = jnp.zeros((E,), dtype=jnp.float32)
    Wgate = jax.random.normal(ks[2], (E, I, H), dtype=jnp.float32) * 0.02
    Wup = jax.random.normal(ks[3], (E, I, H), dtype=jnp.float32) * 0.02
    Wdown = jax.random.normal(ks[4], (E, H, I), dtype=jnp.float32) * 0.02
    return {"x": x, "Wg": Wg, "bg": bg, "Wgate": Wgate, "Wup": Wup, "Wdown": Wdown}


def reference(x, Wg, bg, Wgate, Wup, Wdown):
    # Gating: logits = x @ Wg^T + bg  (nn.Linear with default bias)
    logits = x @ Wg.T + bg  # [N, E]
    logits_topk, indices = jax.lax.top_k(logits, TOPK)  # [N, TOPK]
    # sparse_logits: full -inf, scatter topk raw logits (no softmax, matches torch code)
    sparse = jnp.full_like(logits, -jnp.inf)
    rows = jnp.arange(logits.shape[0])[:, None]
    sparse = sparse.at[rows, indices].set(logits_topk)  # [N, E]
    final = jnp.zeros_like(x)
    for i in range(E):
        mask = (indices == i).any(axis=-1)  # [N] bool
        # Expert i SwiGLU MLP, bias=False (mlp_bias=False)
        h = jax.nn.silu(x @ Wgate[i].T) * (x @ Wup[i].T)  # [N, I]
        out = h @ Wdown[i].T  # [N, H]
        gate = jnp.where(mask, sparse[:, i], 0.0)  # zero where token not routed to expert i
        final = final + out * gate[:, None]
    gate_logit = logits.reshape(-1, E)
    return (final, gate_logit)

if __name__ == "__main__":
    import jax
    _d = setup_inputs()
    print(jax.jit(kernel)(*tuple(_d.values())))

</pallas_src>

<mosaic_0001>
#map = affine_map<(d0, d1) -> (0, 0)>
#map1 = affine_map<(d0, d1) -> (0)>
module attributes {stable_mosaic.version = 14 : i64} {
  func.func @ck(%arg0: i32, %arg1: i32, %arg2: memref<10240x1024xf32, #tpu.memory_space<hbm>>, %arg3: memref<4096xi32, #tpu.memory_space<hbm>>, %arg4: memref<4096xi32, #tpu.memory_space<hbm>>, %arg5: memref<4096x1024xf32, #tpu.memory_space<hbm>>, %arg6: memref<32xi32, #tpu.memory_space<vmem>>, %arg7: memref<32xi32, #tpu.memory_space<vmem>>, %arg8: memref<32x1024xf32, #tpu.memory_space<vmem>>, %arg9: memref<32x1024xf32, #tpu.memory_space<vmem>>, %arg10: memref<!tpu.dma_semaphore, #tpu.memory_space<semaphore_mem>>) attributes {dimension_semantics = [#tpu.dimension_semantics<core_parallel>, #tpu.dimension_semantics<subcore_parallel>], iteration_bounds = array<i64: 2, 16>, scalar_prefetch = 0 : i64, scratch_operands = 5 : i64, tpu.core_type = #tpu.core_type<sc_vector_subcore>, window_params = [{transform_indices = #map}, {transform_indices = #map1}, {transform_indices = #map1}, {transform_indices = #map}]} {
    %mul3A = arith.constant 2 : i32
    %mul3A_0 = arith.muli %arg1, %mul3A : i32
    %add3A = arith.addi %mul3A_0, %arg0 : i32
    %mul3A_1 = arith.constant 128 : i32
    %mul3A_2 = arith.muli %add3A, %mul3A_1 : i32
    %scan3A = arith.constant 0 : i32
    %scan3A_3 = arith.constant 0 : i32
    %scan3A_4 = arith.constant 4 : i32
    %scan3A_5 = arith.addi %scan3A_3, %scan3A_4 : i32
    %scan3A_6 = arith.constant 1 : i32
    scf.for %scan3A_8 = %scan3A_3 to %scan3A_5 step %scan3A_6  : i32 {
      %mul3A_9 = arith.constant 32 : i32
      %mul3A_10 = arith.muli %scan3A_8, %mul3A_9 : i32
      %add3A_11 = arith.addi %mul3A_2, %mul3A_10 : i32
      "tpu.region"() ({
        %run_scoped3A = tpu.sem_alloc : memref<!tpu.dma_semaphore, #tpu.memory_space<semaphore_mem>>
        %dma_start3A_28 = tpu.memref_slice %arg3[%add3A_11] : memref<4096xi32, #tpu.memory_space<hbm>> -> memref<32xi32, #tpu.memory_space<hbm>>
        %dma_start3A_29 = tpu.memref_slice %arg3[%add3A_11] : memref<4096xi32, #tpu.memory_space<hbm>> -> memref<32xi32, #tpu.memory_space<hbm>>
        tpu.enqueue_dma source(%dma_start3A_29 : memref<32xi32, #tpu.memory_space<hbm>>) target(%arg6 : memref<32xi32, #tpu.memory_space<vmem>>) target_semaphore(%run_scoped3A : memref<!tpu.dma_semaphore, #tpu.memory_space<semaphore_mem>>)
        %dma_wait3A_30 = tpu.memref_slice %arg3[%add3A_11] : memref<4096xi32, #tpu.memory_space<hbm>> -> memref<32xi32, #tpu.memory_space<hbm>>
        %dma_wait3A_31 = tpu.memref_slice %arg3[%add3A_11] : memref<4096xi32, #tpu.memory_space<hbm>> -> memref<32xi32, #tpu.memory_space<hbm>>
        tpu.wait_dma2 semaphore(%run_scoped3A : memref<!tpu.dma_semaphore, #tpu.memory_space<semaphore_mem>>) src(%dma_wait3A_31 : memref<32xi32, #tpu.memory_space<hbm>>) dst(%arg6 : memref<32xi32, #tpu.memory_space<vmem>>)
        tpu.yield
      }) : () -> ()
      "tpu.region"() ({
        %run_scoped3A = tpu.sem_alloc : memref<!tpu.dma_semaphore, #tpu.memory_space<semaphore_mem>>
        %dma_start3A_28 = tpu.memref_slice %arg4[%add3A_11] : memref<4096xi32, #tpu.memory_space<hbm>> -> memref<32xi32, #tpu.memory_space<hbm>>
        %dma_start3A_29 = tpu.memref_slice %arg4[%add3A_11] : memref<4096xi32, #tpu.memory_space<hbm>> -> memref<32xi32, #tpu.memory_space<hbm>>
        tpu.enqueue_dma source(%dma_start3A_29 : memref<32xi32, #tpu.memory_space<hbm>>) target(%arg7 : memref<32xi32, #tpu.memory_space<vmem>>) target_semaphore(%run_scoped3A : memref<!tpu.dma_semaphore, #tpu.memory_space<semaphore_mem>>)
        %dma_wait3A_30 = tpu.memref_slice %arg4[%add3A_11] : memref<4096xi32, #tpu.memory_space<hbm>> -> memref<32xi32, #tpu.memory_space<hbm>>
        %dma_wait3A_31 = tpu.memref_slice %arg4[%add3A_11] : memref<4096xi32, #tpu.memory_space<hbm>> -> memref<32xi32, #tpu.memory_space<hbm>>
        tpu.wait_dma2 semaphore(%run_scoped3A : memref<!tpu.dma_semaphore, #tpu.memory_space<semaphore_mem>>) src(%dma_wait3A_31 : memref<32xi32, #tpu.memory_space<hbm>>) dst(%arg7 : memref<32xi32, #tpu.memory_space<vmem>>)
        tpu.yield
      }) : () -> ()
      %dma_start3A = arith.constant 0 : i32
      %dma_start3A_12 = arith.constant 0 : i32
      %dma_start3A_13 = tpu.memref_slice %arg2[%dma_start3A, %dma_start3A_12] : memref<10240x1024xf32, #tpu.memory_space<hbm>> -> memref<10240x1024xf32, #tpu.memory_space<hbm>>
      tpu.enqueue_indirect_dma source(%dma_start3A_13 : memref<10240x1024xf32, #tpu.memory_space<hbm>>) target(%arg8 : memref<32x1024xf32, #tpu.memory_space<vmem>>) offsets(%arg6 : memref<32xi32, #tpu.memory_space<vmem>>) semaphore(%arg10 : memref<!tpu.dma_semaphore, #tpu.memory_space<semaphore_mem>>)
      %dma_start3A_14 = arith.constant 0 : i32
      %dma_start3A_15 = arith.constant 0 : i32
      %dma_start3A_16 = tpu.memref_slice %arg2[%dma_start3A_14, %dma_start3A_15] : memref<10240x1024xf32, #tpu.memory_space<hbm>> -> memref<10240x1024xf32, #tpu.memory_space<hbm>>
      tpu.enqueue_indirect_dma source(%dma_start3A_16 : memref<10240x1024xf32, #tpu.memory_space<hbm>>) target(%arg9 : memref<32x1024xf32, #tpu.memory_space<vmem>>) offsets(%arg7 : memref<32xi32, #tpu.memory_space<vmem>>) semaphore(%arg10 : memref<!tpu.dma_semaphore, #tpu.memory_space<semaphore_mem>>)
      %dma_wait3A = arith.constant 0 : i32
      %dma_wait3A_17 = arith.constant 0 : i32
      %dma_wait3A_18 = tpu.memref_slice %arg2[%dma_wait3A, %dma_wait3A_17] : memref<10240x1024xf32, #tpu.memory_space<hbm>> -> memref<10240x1024xf32, #tpu.memory_space<hbm>>
      tpu.wait_indirect_dma semaphore(%arg10 : memref<!tpu.dma_semaphore, #tpu.memory_space<semaphore_mem>>) src(%dma_wait3A_18 : memref<10240x1024xf32, #tpu.memory_space<hbm>>) dst(%arg8 : memref<32x1024xf32, #tpu.memory_space<vmem>>)
      %dma_wait3A_19 = arith.constant 0 : i32
      %dma_wait3A_20 = arith.constant 0 : i32
      %dma_wait3A_21 = tpu.memref_slice %arg2[%dma_wait3A_19, %dma_wait3A_20] : memref<10240x1024xf32, #tpu.memory_space<hbm>> -> memref<10240x1024xf32, #tpu.memory_space<hbm>>
      tpu.wait_indirect_dma semaphore(%arg10 : memref<!tpu.dma_semaphore, #tpu.memory_space<semaphore_mem>>) src(%dma_wait3A_21 : memref<10240x1024xf32, #tpu.memory_space<hbm>>) dst(%arg9 : memref<32x1024xf32, #tpu.memory_space<vmem>>)
      %scan3A_22 = arith.constant 0 : i32
      %scan3A_23 = arith.constant 0 : i32
      %scan3A_24 = arith.constant 128 : i32
      %scan3A_25 = arith.addi %scan3A_23, %scan3A_24 : i32
      %scan3A_26 = arith.constant 1 : i32
      scf.for %scan3A_28 = %scan3A_23 to %scan3A_25 step %scan3A_26  : i32 {
        %jit3A = arith.constant 4 : i32
        %div3A = arith.divsi %scan3A_28, %jit3A : i32
        %sign3A = arith.constant 0 : i32
        %sign3A_29 = arith.cmpi sgt, %scan3A_28, %sign3A : i32
        %sign3A_30 = arith.extui %sign3A_29 : i1 to i32
        %sign3A_31 = arith.constant 0 : i32
        %sign3A_32 = arith.cmpi slt, %scan3A_28, %sign3A_31 : i32
        %sign3A_33 = arith.extui %sign3A_32 : i1 to i32
        %sign3A_34 = arith.subi %sign3A_30, %sign3A_33 : i32
        %sign3A_35 = arith.constant 0 : i32
        %sign3A_36 = arith.cmpi sgt, %jit3A, %sign3A_35 : i32
        %sign3A_37 = arith.extui %sign3A_36 : i1 to i32
        %sign3A_38 = arith.constant 0 : i32
        %sign3A_39 = arith.cmpi slt, %jit3A, %sign3A_38 : i32
        %sign3A_40 = arith.extui %sign3A_39 : i1 to i32
        %sign3A_41 = arith.subi %sign3A_37, %sign3A_40 : i32
        %ne3A = arith.cmpi ne, %sign3A_34, %sign3A_41 : i32
        %rem3A = arith.remsi %scan3A_28, %jit3A : i32
        %ne3A_42 = arith.constant 0 : i32
        %ne3A_43 = arith.cmpi ne, %rem3A, %ne3A_42 : i32
        %and3A = arith.andi %ne3A, %ne3A_43 : i1
        %sub3A = arith.constant 1 : i32
        %sub3A_44 = arith.subi %div3A, %sub3A : i32
        %select_n3A = arith.select %and3A, %sub3A_44, %div3A : i32
        %jit3A_45 = arith.constant 4 : i32
        %eq3A = arith.constant 0 : i32
        %eq3A_46 = arith.cmpi eq, %jit3A_45, %eq3A : i32
        %jit3A_47 = arith.constant 1 : i32
        %select_n3A_48 = arith.select %eq3A_46, %jit3A_47, %jit3A_45 : i32
        %rem3A_49 = arith.remsi %scan3A_28, %select_n3A_48 : i32
        %ne3A_50 = arith.constant 0 : i32
        %ne3A_51 = arith.cmpi ne, %rem3A_49, %ne3A_50 : i32
        %lt3A = arith.constant 0 : i32
        %lt3A_52 = arith.cmpi slt, %rem3A_49, %lt3A : i32
        %lt3A_53 = arith.constant 0 : i32
        %lt3A_54 = arith.cmpi slt, %select_n3A_48, %lt3A_53 : i32
        %ne3A_55 = arith.xori %lt3A_52, %lt3A_54 : i1
        %and3A_56 = arith.andi %ne3A_55, %ne3A_51 : i1
        %add3A_57 = arith.addi %rem3A_49, %select_n3A_48 : i32
        %select_n3A_58 = arith.select %and3A_56, %add3A_57, %rem3A_49 : i32
        %mul3A_59 = arith.constant 256 : i32
        %mul3A_60 = arith.muli %select_n3A_58, %mul3A_59 : i32
        %add3A_61 = arith.constant 0 : i32
        %add3A_62 = arith.addi %mul3A_60, %add3A_61 : i32
        %get3A = arith.index_cast %select_n3A : i32 to index
        %get3A_63 = arith.index_cast %add3A_62 : i32 to index
        %get3A_64 = tpu.vector_load %arg8[%get3A, %get3A_63] {strides = array<i32>} : memref<32x1024xf32, #tpu.memory_space<vmem>>, vector<1x16xf32>,
        %get3A_65 = vector.shape_cast %get3A_64 : vector<1x16xf32> to vector<16xf32>
        %add3A_66 = arith.constant 0 : i32
        %add3A_67 = arith.addi %mul3A_60, %add3A_66 : i32
        %get3A_68 = arith.index_cast %select_n3A : i32 to index
        %get3A_69 = arith.index_cast %add3A_67 : i32 to index
        %get3A_70 = tpu.vector_load %arg9[%get3A_68, %get3A_69] {strides = array<i32>} : memref<32x1024xf32, #tpu.memory_space<vmem>>, vector<1x16xf32>,
        %get3A_71 = vector.shape_cast %get3A_70 : vector<1x16xf32> to vector<16xf32>
        %add3A_72 = arith.addf %get3A_65, %get3A_71 : vector<16xf32>
        %add3A_73 = arith.constant 0 : i32
        %add3A_74 = arith.addi %mul3A_60, %add3A_73 : i32
        %swap3A = arith.index_cast %select_n3A : i32 to index
        %swap3A_75 = arith.index_cast %add3A_74 : i32 to index
        %swap3A_76 = tpu.vector_load %arg8[%swap3A, %swap3A_75] {strides = array<i32>} : memref<32x1024xf32, #tpu.memory_space<vmem>>, vector<1x16xf32>,
        %swap3A_77 = vector.shape_cast %swap3A_76 : vector<1x16xf32> to vector<16xf32>
        %swap3A_78 = vector.shape_cast %add3A_72 : vector<16xf32> to vector<1x16xf32>
        tpu.vector_store %arg8[%swap3A, %swap3A_75], %swap3A_78 {strides = array<i32>} : memref<32x1024xf32, #tpu.memory_space<vmem>>, vector<1x16xf32>,
        %add3A_79 = arith.constant 16 : i32
        %add3A_80 = arith.addi %mul3A_60, %add3A_79 : i32
        %get3A_81 = arith.index_cast %select_n3A : i32 to index
        %get3A_82 = arith.index_cast %add3A_80 : i32 to index
        %get3A_83 = tpu.vector_load %arg8[%get3A_81, %get3A_82] {strides = array<i32>} : memref<32x1024xf32, #tpu.memory_space<vmem>>, vector<1x16xf32>,
        %get3A_84 = vector.shape_cast %get3A_83 : vector<1x16xf32> to vector<16xf32>
        %add3A_85 = arith.constant 16 : i32
        %add3A_86 = arith.addi %mul3A_60, %add3A_85 : i32
        %get3A_87 = arith.index_cast %select_n3A : i32 to index
        %get3A_88 = arith.index_cast %add3A_86 : i32 to index
        %get3A_89 = tpu.vector_load %arg9[%get3A_87, %get3A_88] {strides = array<i32>} : memref<32x1024xf32, #tpu.memory_space<vmem>>, vector<1x16xf32>,
        %get3A_90 = vector.shape_cast %get3A_89 : vector<1x16xf32> to vector<16xf32>
        %add3A_91 = arith.addf %get3A_84, %get3A_90 : vector<16xf32>
        %add3A_92 = arith.constant 16 : i32
        %add3A_93 = arith.addi %mul3A_60, %add3A_92 : i32
        %swap3A_94 = arith.index_cast %select_n3A : i32 to index
        %swap3A_95 = arith.index_cast %add3A_93 : i32 to index
        %swap3A_96 = tpu.vector_load %arg8[%swap3A_94, %swap3A_95] {strides = array<i32>} : memref<32x1024xf32, #tpu.memory_space<vmem>>, vector<1x16xf32>,
        %swap3A_97 = vector.shape_cast %swap3A_96 : vector<1x16xf32> to vector<16xf32>
        %swap3A_98 = vector.shape_cast %add3A_91 : vector<16xf32> to vector<1x16xf32>
        tpu.vector_store %arg8[%swap3A_94, %swap3A_95], %swap3A_98 {strides = array<i32>} : memref<32x1024xf32, #tpu.memory_space<vmem>>, vector<1x16xf32>,
        %add3A_99 = arith.constant 32 : i32
        %add3A_100 = arith.addi %mul3A_60, %add3A_99 : i32
        %get3A_101 = arith.index_cast %select_n3A : i32 to index
        %get3A_102 = arith.index_cast %add3A_100 : i32 to index
        %get3A_103 = tpu.vector_load %arg8[%get3A_101, %get3A_102] {strides = array<i32>} : memref<32x1024xf32, #tpu.memory_space<vmem>>, vector<1x16xf32>,
        %get3A_104 = vector.shape_cast %get3A_103 : vector<1x16xf32> to vector<16xf32>
        %add3A_105 = arith.constant 32 : i32
        %add3A_106 = arith.addi %mul3A_60, %add3A_105 : i32
        %get3A_107 = arith.index_cast %select_n3A : i32 to index
        %get3A_108 = arith.index_cast %add3A_106 : i32 to index
        %get3A_109 = tpu.vector_load %arg9[%get3A_107, %get3A_108] {strides = array<i32>} : memref<32x1024xf32, #tpu.memory_space<vmem>>, vector<1x16xf32>,
        %get3A_110 = vector.shape_cast %get3A_109 : vector<1x16xf32> to vector<16xf32>
        %add3A_111 = arith.addf %get3A_104, %get3A_110 : vector<16xf32>
        %add3A_112 = arith.constant 32 : i32
        %add3A_113 = arith.addi %mul3A_60, %add3A_112 : i32
        %swap3A_114 = arith.index_cast %select_n3A : i32 to index
        %swap3A_115 = arith.index_cast %add3A_113 : i32 to index
        %swap3A_116 = tpu.vector_load %arg8[%swap3A_114, %swap3A_115] {strides = array<i32>} : memref<32x1024xf32, #tpu.memory_space<vmem>>, vector<1x16xf32>,
        %swap3A_117 = vector.shape_cast %swap3A_116 : vector<1x16xf32> to vector<16xf32>
        %swap3A_118 = vector.shape_cast %add3A_111 : vector<16xf32> to vector<1x16xf32>
        tpu.vector_store %arg8[%swap3A_114, %swap3A_115], %swap3A_118 {strides = array<i32>} : memref<32x1024xf32, #tpu.memory_space<vmem>>, vector<1x16xf32>,
        %add3A_119 = arith.constant 48 : i32
        %add3A_120 = arith.addi %mul3A_60, %add3A_119 : i32
        %get3A_121 = arith.index_cast %select_n3A : i32 to index
        %get3A_122 = arith.index_cast %add3A_120 : i32 to index
        %get3A_123 = tpu.vector_load %arg8[%get3A_121, %get3A_122] {strides = array<i32>} : memref<32x1024xf32, #tpu.memory_space<vmem>>, vector<1x16xf32>,
        %get3A_124 = vector.shape_cast %get3A_123 : vector<1x16xf32> to vector<16xf32>
        %add3A_125 = arith.constant 48 : i32
        %add3A_126 = arith.addi %mul3A_60, %add3A_125 : i32
        %get3A_127 = arith.index_cast %select_n3A : i32 to index
        %get3A_128 = arith.index_cast %add3A_126 : i32 to index
        %get3A_129 = tpu.vector_load %arg9[%get3A_127, %get3A_128] {strides = array<i32>} : memref<32x1024xf32, #tpu.memory_space<vmem>>, vector<1x16xf32>,
        %get3A_130 = vector.shape_cast %get3A_129 : vector<1x16xf32> to vector<16xf32>
        %add3A_131 = arith.addf %get3A_124, %get3A_130 : vector<16xf32>
        %add3A_132 = arith.constant 48 : i32
        %add3A_133 = arith.addi %mul3A_60, %add3A_132 : i32
        %swap3A_134 = arith.index_cast %select_n3A : i32 to index
        %swap3A_135 = arith.index_cast %add3A_133 : i32 to index
        %swap3A_136 = tpu.vector_load %arg8[%swap3A_134, %swap3A_135] {strides = array<i32>} : memref<32x1024xf32, #tpu.memory_space<vmem>>, vector<1x16xf32>,
        %swap3A_137 = vector.shape_cast %swap3A_136 : vector<1x16xf32> to vector<16xf32>
        %swap3A_138 = vector.shape_cast %add3A_131 : vector<16xf32> to vector<1x16xf32>
        tpu.vector_store %arg8[%swap3A_134, %swap3A_135], %swap3A_138 {strides = array<i32>} : memref<32x1024xf32, #tpu.memory_space<vmem>>, vector<1x16xf32>,
        %add3A_139 = arith.constant 64 : i32
        %add3A_140 = arith.addi %mul3A_60, %add3A_139 : i32
        %get3A_141 = arith.index_cast %select_n3A : i32 to index
        %get3A_142 = arith.index_cast %add3A_140 : i32 to index
        %get3A_143 = tpu.vector_load %arg8[%get3A_141, %get3A_142] {strides = array<i32>} : memref<32x1024xf32, #tpu.memory_space<vmem>>, vector<1x16xf32>,
        %get3A_144 = vector.shape_cast %get3A_143 : vector<1x16xf32> to vector<16xf32>
        %add3A_145 = arith.constant 64 : i32
        %add3A_146 = arith.addi %mul3A_60, %add3A_145 : i32
        %get3A_147 = arith.index_cast %select_n3A : i32 to index
        %get3A_148 = arith.index_cast %add3A_146 : i32 to index
        %get3A_149 = tpu.vector_load %arg9[%get3A_147, %get3A_148] {strides = array<i32>} : memref<32x1024xf32, #tpu.memory_space<vmem>>, vector<1x16xf32>,
        %get3A_150 = vector.shape_cast %get3A_149 : vector<1x16xf32> to vector<16xf32>
        %add3A_151 = arith.addf %get3A_144, %get3A_150 : vector<16xf32>
        %add3A_152 = arith.constant 64 : i32
        %add3A_153 = arith.addi %mul3A_60, %add3A_152 : i32
        %swap3A_154 = arith.index_cast %select_n3A : i32 to index
        %swap3A_155 = arith.index_cast %add3A_153 : i32 to index
        %swap3A_156 = tpu.vector_load %arg8[%swap3A_154, %swap3A_155] {strides = array<i32>} : memref<32x1024xf32, #tpu.memory_space<vmem>>, vector<1x16xf32>,
        %swap3A_157 = vector.shape_cast %swap3A_156 : vector<1x16xf32> to vector<16xf32>
        %swap3A_158 = vector.shape_cast %add3A_151 : vector<16xf32> to vector<1x16xf32>
        tpu.vector_store %arg8[%swap3A_154, %swap3A_155], %swap3A_158 {strides = array<i32>} : memref<32x1024xf32, #tpu.memory_space<vmem>>, vector<1x16xf32>,
        %add3A_159 = arith.constant 80 : i32
        %add3A_160 = arith.addi %mul3A_60, %add3A_159 : i32
        %get3A_161 = arith.index_cast %select_n3A : i32 to index
        %get3A_162 = arith.index_cast %add3A_160 : i32 to index
        %get3A_163 = tpu.vector_load %arg8[%get3A_161, %get3A_162] {strides = array<i32>} : memref<32x1024xf32, #tpu.memory_space<vmem>>, vector<1x16xf32>,
        %get3A_164 = vector.shape_cast %get3A_163 : vector<1x16xf32> to vector<16xf32>
        %add3A_165 = arith.constant 80 : i32
        %add3A_166 = arith.addi %mul3A_60, %add3A_165 : i32
        %get3A_167 = arith.index_cast %select_n3A : i32 to index
        %get3A_168 = arith.index_cast %add3A_166 : i32 to index
        %get3A_169 = tpu.vector_load %arg9[%get3A_167, %get3A_168] {strides = array<i32>} : memref<32x1024xf32, #tpu.memory_space<vmem>>, vector<1x16xf32>,
        %get3A_170 = vector.shape_cast %get3A_169 : vector<1x16xf32> to vector<16xf32>
        %add3A_171 = arith.addf %get3A_164, %get3A_170 : vector<16xf32>
        %add3A_172 = arith.constant 80 : i32
        %add3A_173 = arith.addi %mul3A_60, %add3A_172 : i32
        %swap3A_174 = arith.index_cast %select_n3A : i32 to index
        %swap3A_175 = arith.index_cast %add3A_173 : i32 to index
        %swap3A_176 = tpu.vector_load %arg8[%swap3A_174, %swap3A_175] {strides = array<i32>} : memref<32x1024xf32, #tpu.memory_space<vmem>>, vector<1x16xf32>,
        %swap3A_177 = vector.shape_cast %swap3A_176 : vector<1x16xf32> to vector<16xf32>
        %swap3A_178 = vector.shape_cast %add3A_171 : vector<16xf32> to vector<1x16xf32>
        tpu.vector_store %arg8[%swap3A_174, %swap3A_175], %swap3A_178 {strides = array<i32>} : memref<32x1024xf32, #tpu.memory_space<vmem>>, vector<1x16xf32>,
        %add3A_179 = arith.constant 96 : i32
        %add3A_180 = arith.addi %mul3A_60, %add3A_179 : i32
        %get3A_181 = arith.index_cast %select_n3A : i32 to index
        %get3A_182 = arith.index_cast %add3A_180 : i32 to index
        %get3A_183 = tpu.vector_load %arg8[%get3A_181, %get3A_182] {strides = array<i32>} : memref<32x1024xf32, #tpu.memory_space<vmem>>, vector<1x16xf32>,
        %get3A_184 = vector.shape_cast %get3A_183 : vector<1x16xf32> to vector<16xf32>
        %add3A_185 = arith.constant 96 : i32
        %add3A_186 = arith.addi %mul3A_60, %add3A_185 : i32
        %get3A_187 = arith.index_cast %select_n3A : i32 to index
        %get3A_188 = arith.index_cast %add3A_186 : i32 to index
        %get3A_189 = tpu.vector_load %arg9[%get3A_187, %get3A_188] {strides = array<i32>} : memref<32x1024xf32, #tpu.memory_space<vmem>>, vector<1x16xf32>,
        %get3A_190 = vector.shape_cast %get3A_189 : vector<1x16xf32> to vector<16xf32>
        %add3A_191 = arith.addf %get3A_184, %get3A_190 : vector<16xf32>
        %add3A_192 = arith.constant 96 : i32
        %add3A_193 = arith.addi %mul3A_60, %add3A_192 : i32
        %swap3A_194 = arith.index_cast %select_n3A : i32 to index
        %swap3A_195 = arith.index_cast %add3A_193 : i32 to index
        %swap3A_196 = tpu.vector_load %arg8[%swap3A_194, %swap3A_195] {strides = array<i32>} : memref<32x1024xf32, #tpu.memory_space<vmem>>, vector<1x16xf32>,
        %swap3A_197 = vector.shape_cast %swap3A_196 : vector<1x16xf32> to vector<16xf32>
        %swap3A_198 = vector.shape_cast %add3A_191 : vector<16xf32> to vector<1x16xf32>
        tpu.vector_store %arg8[%swap3A_194, %swap3A_195], %swap3A_198 {strides = array<i32>} : memref<32x1024xf32, #tpu.memory_space<vmem>>, vector<1x16xf32>,
        %add3A_199 = arith.constant 112 : i32
        %add3A_200 = arith.addi %mul3A_60, %add3A_199 : i32
        %get3A_201 = arith.index_cast %select_n3A : i32 to index
        %get3A_202 = arith.index_cast %add3A_200 : i32 to index
        %get3A_203 = tpu.vector_load %arg8[%get3A_201, %get3A_202] {strides = array<i32>} : memref<32x1024xf32, #tpu.memory_space<vmem>>, vector<1x16xf32>,
        %get3A_204 = vector.shape_cast %get3A_203 : vector<1x16xf32> to vector<16xf32>
        %add3A_205 = arith.constant 112 : i32
        %add3A_206 = arith.addi %mul3A_60, %add3A_205 : i32
        %get3A_207 = arith.index_cast %select_n3A : i32 to index
        %get3A_208 = arith.index_cast %add3A_206 : i32 to index
        %get3A_209 = tpu.vector_load %arg9[%get3A_207, %get3A_208] {strides = array<i32>} : memref<32x1024xf32, #tpu.memory_space<vmem>>, vector<1x16xf32>,
        %get3A_210 = vector.shape_cast %get3A_209 : vector<1x16xf32> to vector<16xf32>
        %add3A_211 = arith.addf %get3A_204, %get3A_210 : vector<16xf32>
        %add3A_212 = arith.constant 112 : i32
        %add3A_213 = arith.addi %mul3A_60, %add3A_212 : i32
        %swap3A_214 = arith.index_cast %select_n3A : i32 to index
        %swap3A_215 = arith.index_cast %add3A_213 : i32 to index
        %swap3A_216 = tpu.vector_load %arg8[%swap3A_214, %swap3A_215] {strides = array<i32>} : memref<32x1024xf32, #tpu.memory_space<vmem>>, vector<1x16xf32>,
        %swap3A_217 = vector.shape_cast %swap3A_216 : vector<1x16xf32> to vector<16xf32>
        %swap3A_218 = vector.shape_cast %add3A_211 : vector<16xf32> to vector<1x16xf32>
        tpu.vector_store %arg8[%swap3A_214, %swap3A_215], %swap3A_218 {strides = array<i32>} : memref<32x1024xf32, #tpu.memory_space<vmem>>, vector<1x16xf32>,
        %add3A_219 = arith.constant 128 : i32
        %add3A_220 = arith.addi %mul3A_60, %add3A_219 : i32
        %get3A_221 = arith.index_cast %select_n3A : i32 to index
        %get3A_222 = arith.index_cast %add3A_220 : i32 to index
        %get3A_223 = tpu.vector_load %arg8[%get3A_221, %get3A_222] {strides = array<i32>} : memref<32x1024xf32, #tpu.memory_space<vmem>>, vector<1x16xf32>,
        %get3A_224 = vector.shape_cast %get3A_223 : vector<1x16xf32> to vector<16xf32>
        %add3A_225 = arith.constant 128 : i32
        %add3A_226 = arith.addi %mul3A_60, %add3A_225 : i32
        %get3A_227 = arith.index_cast %select_n3A : i32 to index
        %get3A_228 = arith.index_cast %add3A_226 : i32 to index
        %get3A_229 = tpu.vector_load %arg9[%get3A_227, %get3A_228] {strides = array<i32>} : memref<32x1024xf32, #tpu.memory_space<vmem>>, vector<1x16xf32>,
        %get3A_230 = vector.shape_cast %get3A_229 : vector<1x16xf32> to vector<16xf32>
        %add3A_231 = arith.addf %get3A_224, %get3A_230 : vector<16xf32>
        %add3A_232 = arith.constant 128 : i32
        %add3A_233 = arith.addi %mul3A_60, %add3A_232 : i32
        %swap3A_234 = arith.index_cast %select_n3A : i32 to index
        %swap3A_235 = arith.index_cast %add3A_233 : i32 to index
        %swap3A_236 = tpu.vector_load %arg8[%swap3A_234, %swap3A_235] {strides = array<i32>} : memref<32x1024xf32, #tpu.memory_space<vmem>>, vector<1x16xf32>,
        %swap3A_237 = vector.shape_cast %swap3A_236 : vector<1x16xf32> to vector<16xf32>
        %swap3A_238 = vector.shape_cast %add3A_231 : vector<16xf32> to vector<1x16xf32>
        tpu.vector_store %arg8[%swap3A_234, %swap3A_235], %swap3A_238 {strides = array<i32>} : memref<32x1024xf32, #tpu.memory_space<vmem>>, vector<1x16xf32>,
        %add3A_239 = arith.constant 144 : i32
        %add3A_240 = arith.addi %mul3A_60, %add3A_239 : i32
        %get3A_241 = arith.index_cast %select_n3A : i32 to index
        %get3A_242 = arith.index_cast %add3A_240 : i32 to index
        %get3A_243 = tpu.vector_load %arg8[%get3A_241, %get3A_242] {strides = array<i32>} : memref<32x1024xf32, #tpu.memory_space<vmem>>, vector<1x16xf32>,
        %get3A_244 = vector.shape_cast %get3A_243 : vector<1x16xf32> to vector<16xf32>
        %add3A_245 = arith.constant 144 : i32
        %add3A_246 = arith.addi %mul3A_60, %add3A_245 : i32
        %get3A_247 = arith.index_cast %select_n3A : i32 to index
        %get3A_248 = arith.index_cast %add3A_246 : i32 to index
        %get3A_249 = tpu.vector_load %arg9[%get3A_247, %get3A_248] {strides = array<i32>} : memref<32x1024xf32, #tpu.memory_space<vmem>>, vector<1x16xf32>,
        %get3A_250 = vector.shape_cast %get3A_249 : vector<1x16xf32> to vector<16xf32>
        %add3A_251 = arith.addf %get3A_244, %get3A_250 : vector<16xf32>
        %add3A_252 = arith.constant 144 : i32
        %add3A_253 = arith.addi %mul3A_60, %add3A_252 : i32
        %swap3A_254 = arith.index_cast %select_n3A : i32 to index
        %swap3A_255 = arith.index_cast %add3A_253 : i32 to index
        %swap3A_256 = tpu.vector_load %arg8[%swap3A_254, %swap3A_255] {strides = array<i32>} : memref<32x1024xf32, #tpu.memory_space<vmem>>, vector<1x16xf32>,
        %swap3A_257 = vector.shape_cast %swap3A_256 : vector<1x16xf32> to vector<16xf32>
        %swap3A_258 = vector.shape_cast %add3A_251 : vector<16xf32> to vector<1x16xf32>
        tpu.vector_store %arg8[%swap3A_254, %swap3A_255], %swap3A_258 {strides = array<i32>} : memref<32x1024xf32, #tpu.memory_space<vmem>>, vector<1x16xf32>,
        %add3A_259 = arith.constant 160 : i32
        %add3A_260 = arith.addi %mul3A_60, %add3A_259 : i32
        %get3A_261 = arith.index_cast %select_n3A : i32 to index
        %get3A_262 = arith.index_cast %add3A_260 : i32 to index
        %get3A_263 = tpu.vector_load %arg8[%get3A_261, %get3A_262] {strides = array<i32>} : memref<32x1024xf32, #tpu.memory_space<vmem>>, vector<1x16xf32>,
        %get3A_264 = vector.shape_cast %get3A_263 : vector<1x16xf32> to vector<16xf32>
        %add3A_265 = arith.constant 160 : i32
        %add3A_266 = arith.addi %mul3A_60, %add3A_265 : i32
        %get3A_267 = arith.index_cast %select_n3A : i32 to index
        %get3A_268 = arith.index_cast %add3A_266 : i32 to index
        %get3A_269 = tpu.vector_load %arg9[%get3A_267, %get3A_268] {strides = array<i32>} : memref<32x1024xf32, #tpu.memory_space<vmem>>, vector<1x16xf32>,
        %get3A_270 = vector.shape_cast %get3A_269 : vector<1x16xf32> to vector<16xf32>
        %add3A_271 = arith.addf %get3A_264, %get3A_270 : vector<16xf32>
        %add3A_272 = arith.constant 160 : i32
        %add3A_273 = arith.addi %mul3A_60, %add3A_272 : i32
        %swap3A_274 = arith.index_cast %select_n3A : i32 to index
        %swap3A_275 = arith.index_cast %add3A_273 : i32 to index
        %swap3A_276 = tpu.vector_load %arg8[%swap3A_274, %swap3A_275] {strides = array<i32>} : memref<32x1024xf32, #tpu.memory_space<vmem>>, vector<1x16xf32>,
        %swap3A_277 = vector.shape_cast %swap3A_276 : vector<1x16xf32> to vector<16xf32>
        %swap3A_278 = vector.shape_cast %add3A_271 : vector<16xf32> to vector<1x16xf32>
        tpu.vector_store %arg8[%swap3A_274, %swap3A_275], %swap3A_278 {strides = array<i32>} : memref<32x1024xf32, #tpu.memory_space<vmem>>, vector<1x16xf32>,
        %add3A_279 = arith.constant 176 : i32
        %add3A_280 = arith.addi %mul3A_60, %add3A_279 : i32
        %get3A_281 = arith.index_cast %select_n3A : i32 to index
        %get3A_282 = arith.index_cast %add3A_280 : i32 to index
        %get3A_283 = tpu.vector_load %arg8[%get3A_281, %get3A_282] {strides = array<i32>} : memref<32x1024xf32, #tpu.memory_space<vmem>>, vector<1x16xf32>,
        %get3A_284 = vector.shape_cast %get3A_283 : vector<1x16xf32> to vector<16xf32>
        %add3A_285 = arith.constant 176 : i32
        %add3A_286 = arith.addi %mul3A_60, %add3A_285 : i32
        %get3A_287 = arith.index_cast %select_n3A : i32 to index
        %get3A_288 = arith.index_cast %add3A_286 : i32 to index
        %get3A_289 = tpu.vector_load %arg9[%get3A_287, %get3A_288] {strides = array<i32>} : memref<32x1024xf32, #tpu.memory_space<vmem>>, vector<1x16xf32>,
        %get3A_290 = vector.shape_cast %get3A_289 : vector<1x16xf32> to vector<16xf32>
        %add3A_291 = arith.addf %get3A_284, %get3A_290 : vector<16xf32>
        %add3A_292 = arith.constant 176 : i32
        %add3A_293 = arith.addi %mul3A_60, %add3A_292 : i32
        %swap3A_294 = arith.index_cast %select_n3A : i32 to index
        %swap3A_295 = arith.index_cast %add3A_293 : i32 to index
        %swap3A_296 = tpu.vector_load %arg8[%swap3A_294, %swap3A_295] {strides = array<i32>} : memref<32x1024xf32, #tpu.memory_space<vmem>>, vector<1x16xf32>,
        %swap3A_297 = vector.shape_cast %swap3A_296 : vector<1x16xf32> to vector<16xf32>
        %swap3A_298 = vector.shape_cast %add3A_291 : vector<16xf32> to vector<1x16xf32>
        tpu.vector_store %arg8[%swap3A_294, %swap3A_295], %swap3A_298 {strides = array<i32>} : memref<32x1024xf32, #tpu.memory_space<vmem>>, vector<1x16xf32>,
        %add3A_299 = arith.constant 192 : i32
        %add3A_300 = arith.addi %mul3A_60, %add3A_299 : i32
        %get3A_301 = arith.index_cast %select_n3A : i32 to index
        %get3A_302 = arith.index_cast %add3A_300 : i32 to index
        %get3A_303 = tpu.vector_load %arg8[%get3A_301, %get3A_302] {strides = array<i32>} : memref<32x1024xf32, #tpu.memory_space<vmem>>, vector<1x16xf32>,
        %get3A_304 = vector.shape_cast %get3A_303 : vector<1x16xf32> to vector<16xf32>
        %add3A_305 = arith.constant 192 : i32
        %add3A_306 = arith.addi %mul3A_60, %add3A_305 : i32
        %get3A_307 = arith.index_cast %select_n3A : i32 to index
        %get3A_308 = arith.index_cast %add3A_306 : i32 to index
        %get3A_309 = tpu.vector_load %arg9[%get3A_307, %get3A_308] {strides = array<i32>} : memref<32x1024xf32, #tpu.memory_space<vmem>>, vector<1x16xf32>,
        %get3A_310 = vector.shape_cast %get3A_309 : vector<1x16xf32> to vector<16xf32>
        %add3A_311 = arith.addf %get3A_304, %get3A_310 : vector<16xf32>
        %add3A_312 = arith.constant 192 : i32
        %add3A_313 = arith.addi %mul3A_60, %add3A_312 : i32
        %swap3A_314 = arith.index_cast %select_n3A : i32 to index
        %swap3A_315 = arith.index_cast %add3A_313 : i32 to index
        %swap3A_316 = tpu.vector_load %arg8[%swap3A_314, %swap3A_315] {strides = array<i32>} : memref<32x1024xf32, #tpu.memory_space<vmem>>, vector<1x16xf32>,
        %swap3A_317 = vector.shape_cast %swap3A_316 : vector<1x16xf32> to vector<16xf32>
        %swap3A_318 = vector.shape_cast %add3A_311 : vector<16xf32> to vector<1x16xf32>
        tpu.vector_store %arg8[%swap3A_314, %swap3A_315], %swap3A_318 {strides = array<i32>} : memref<32x1024xf32, #tpu.memory_space<vmem>>, vector<1x16xf32>,
        %add3A_319 = arith.constant 208 : i32
        %add3A_320 = arith.addi %mul3A_60, %add3A_319 : i32
        %get3A_321 = arith.index_cast %select_n3A : i32 to index
        %get3A_322 = arith.index_cast %add3A_320 : i32 to index
        %get3A_323 = tpu.vector_load %arg8[%get3A_321, %get3A_322] {strides = array<i32>} : memref<32x1024xf32, #tpu.memory_space<vmem>>, vector<1x16xf32>,
        %get3A_324 = vector.shape_cast %get3A_323 : vector<1x16xf32> to vector<16xf32>
        %add3A_325 = arith.constant 208 : i32
        %add3A_326 = arith.addi %mul3A_60, %add3A_325 : i32
        %get3A_327 = arith.index_cast %select_n3A : i32 to index
        %get3A_328 = arith.index_cast %add3A_326 : i32 to index
        %get3A_329 = tpu.vector_load %arg9[%get3A_327, %get3A_328] {strides = array<i32>} : memref<32x1024xf32, #tpu.memory_space<vmem>>, vector<1x16xf32>,
        %get3A_330 = vector.shape_cast %get3A_329 : vector<1x16xf32> to vector<16xf32>
        %add3A_331 = arith.addf %get3A_324, %get3A_330 : vector<16xf32>
        %add3A_332 = arith.constant 208 : i32
        %add3A_333 = arith.addi %mul3A_60, %add3A_332 : i32
        %swap3A_334 = arith.index_cast %select_n3A : i32 to index
        %swap3A_335 = arith.index_cast %add3A_333 : i32 to index
        %swap3A_336 = tpu.vector_load %arg8[%swap3A_334, %swap3A_335] {strides = array<i32>} : memref<32x1024xf32, #tpu.memory_space<vmem>>, vector<1x16xf32>,
        %swap3A_337 = vector.shape_cast %swap3A_336 : vector<1x16xf32> to vector<16xf32>
        %swap3A_338 = vector.shape_cast %add3A_331 : vector<16xf32> to vector<1x16xf32>
        tpu.vector_store %arg8[%swap3A_334, %swap3A_335], %swap3A_338 {strides = array<i32>} : memref<32x1024xf32, #tpu.memory_space<vmem>>, vector<1x16xf32>,
        %add3A_339 = arith.constant 224 : i32
        %add3A_340 = arith.addi %mul3A_60, %add3A_339 : i32
        %get3A_341 = arith.index_cast %select_n3A : i32 to index
        %get3A_342 = arith.index_cast %add3A_340 : i32 to index
        %get3A_343 = tpu.vector_load %arg8[%get3A_341, %get3A_342] {strides = array<i32>} : memref<32x1024xf32, #tpu.memory_space<vmem>>, vector<1x16xf32>,
        %get3A_344 = vector.shape_cast %get3A_343 : vector<1x16xf32> to vector<16xf32>
        %add3A_345 = arith.constant 224 : i32
        %add3A_346 = arith.addi %mul3A_60, %add3A_345 : i32
        %get3A_347 = arith.index_cast %select_n3A : i32 to index
        %get3A_348 = arith.index_cast %add3A_346 : i32 to index
        %get3A_349 = tpu.vector_load %arg9[%get3A_347, %get3A_348] {strides = array<i32>} : memref<32x1024xf32, #tpu.memory_space<vmem>>, vector<1x16xf32>,
        %get3A_350 = vector.shape_cast %get3A_349 : vector<1x16xf32> to vector<16xf32>
        %add3A_351 = arith.addf %get3A_344, %get3A_350 : vector<16xf32>
        %add3A_352 = arith.constant 224 : i32
        %add3A_353 = arith.addi %mul3A_60, %add3A_352 : i32
        %swap3A_354 = arith.index_cast %select_n3A : i32 to index
        %swap3A_355 = arith.index_cast %add3A_353 : i32 to index
        %swap3A_356 = tpu.vector_load %arg8[%swap3A_354, %swap3A_355] {strides = array<i32>} : memref<32x1024xf32, #tpu.memory_space<vmem>>, vector<1x16xf32>,
        %swap3A_357 = vector.shape_cast %swap3A_356 : vector<1x16xf32> to vector<16xf32>
        %swap3A_358 = vector.shape_cast %add3A_351 : vector<16xf32> to vector<1x16xf32>
        tpu.vector_store %arg8[%swap3A_354, %swap3A_355], %swap3A_358 {strides = array<i32>} : memref<32x1024xf32, #tpu.memory_space<vmem>>, vector<1x16xf32>,
        %add3A_359 = arith.constant 240 : i32
        %add3A_360 = arith.addi %mul3A_60, %add3A_359 : i32
        %get3A_361 = arith.index_cast %select_n3A : i32 to index
        %get3A_362 = arith.index_cast %add3A_360 : i32 to index
        %get3A_363 = tpu.vector_load %arg8[%get3A_361, %get3A_362] {strides = array<i32>} : memref<32x1024xf32, #tpu.memory_space<vmem>>, vector<1x16xf32>,
        %get3A_364 = vector.shape_cast %get3A_363 : vector<1x16xf32> to vector<16xf32>
        %add3A_365 = arith.constant 240 : i32
        %add3A_366 = arith.addi %mul3A_60, %add3A_365 : i32
        %get3A_367 = arith.index_cast %select_n3A : i32 to index
        %get3A_368 = arith.index_cast %add3A_366 : i32 to index
        %get3A_369 = tpu.vector_load %arg9[%get3A_367, %get3A_368] {strides = array<i32>} : memref<32x1024xf32, #tpu.memory_space<vmem>>, vector<1x16xf32>,
        %get3A_370 = vector.shape_cast %get3A_369 : vector<1x16xf32> to vector<16xf32>
        %add3A_371 = arith.addf %get3A_364, %get3A_370 : vector<16xf32>
        %add3A_372 = arith.constant 240 : i32
        %add3A_373 = arith.addi %mul3A_60, %add3A_372 : i32
        %swap3A_374 = arith.index_cast %select_n3A : i32 to index
        %swap3A_375 = arith.index_cast %add3A_373 : i32 to index
        %swap3A_376 = tpu.vector_load %arg8[%swap3A_374, %swap3A_375] {strides = array<i32>} : memref<32x1024xf32, #tpu.memory_space<vmem>>, vector<1x16xf32>,
        %swap3A_377 = vector.shape_cast %swap3A_376 : vector<1x16xf32> to vector<16xf32>
        %swap3A_378 = vector.shape_cast %add3A_371 : vector<16xf32> to vector<1x16xf32>
        tpu.vector_store %arg8[%swap3A_374, %swap3A_375], %swap3A_378 {strides = array<i32>} : memref<32x1024xf32, #tpu.memory_space<vmem>>, vector<1x16xf32>,
      }
      %scan3A_27 = arith.constant 128 : i32
      "tpu.region"() ({
        %run_scoped3A = tpu.sem_alloc : memref<!tpu.dma_semaphore, #tpu.memory_space<semaphore_mem>>
        %dma_start3A_28 = arith.constant 0 : i32
        %dma_start3A_29 = tpu.memref_slice %arg5[%add3A_11, %dma_start3A_28] : memref<4096x1024xf32, #tpu.memory_space<hbm>> -> memref<32x1024xf32, #tpu.memory_space<hbm>>
        %dma_start3A_30 = arith.constant 0 : i32
        %dma_start3A_31 = tpu.memref_slice %arg5[%add3A_11, %dma_start3A_30] : memref<4096x1024xf32, #tpu.memory_space<hbm>> -> memref<32x1024xf32, #tpu.memory_space<hbm>>
        tpu.enqueue_dma source(%arg8 : memref<32x1024xf32, #tpu.memory_space<vmem>>) target(%dma_start3A_31 : memref<32x1024xf32, #tpu.memory_space<hbm>>) target_semaphore(%run_scoped3A : memref<!tpu.dma_semaphore, #tpu.memory_space<semaphore_mem>>)
        %dma_wait3A_32 = arith.constant 0 : i32
        %dma_wait3A_33 = tpu.memref_slice %arg5[%add3A_11, %dma_wait3A_32] : memref<4096x1024xf32, #tpu.memory_space<hbm>> -> memref<32x1024xf32, #tpu.memory_space<hbm>>
        %dma_wait3A_34 = arith.constant 0 : i32
        %dma_wait3A_35 = tpu.memref_slice %arg5[%add3A_11, %dma_wait3A_34] : memref<4096x1024xf32, #tpu.memory_space<hbm>> -> memref<32x1024xf32, #tpu.memory_space<hbm>>
        tpu.wait_dma2 semaphore(%run_scoped3A : memref<!tpu.dma_semaphore, #tpu.memory_space<semaphore_mem>>) src(%arg8 : memref<32x1024xf32, #tpu.memory_space<vmem>>) dst(%dma_wait3A_35 : memref<32x1024xf32, #tpu.memory_space<hbm>>)
        tpu.yield
      }) : () -> ()
    }
    %scan3A_7 = arith.constant 4 : i32
    return
  }
}

#map = affine_map<(d0, d1) -> (0, 0)>
#map1 = affine_map<(d0, d1) -> (0)>
module attributes {stable_mosaic.version = 14 : i64} {
  func.func @gk(%arg0: i32, %arg1: i32, %arg2: memref<4096x1024xf32, #tpu.memory_space<hbm>>, %arg3: memref<5120xi32, #tpu.memory_space<hbm>>, %arg4: memref<5120x1024xf32, #tpu.memory_space<hbm>>, %arg5: memref<160xi32, #tpu.memory_space<vmem>>, %arg6: memref<40x1024xf32, #tpu.memory_space<vmem>>, %arg7: memref<40x1024xf32, #tpu.memory_space<vmem>>, %arg8: memref<!tpu.dma_semaphore, #tpu.memory_space<semaphore_mem>>, %arg9: memref<!tpu.dma_semaphore, #tpu.memory_space<semaphore_mem>>) attributes {dimension_semantics = [#tpu.dimension_semantics<core_parallel>, #tpu.dimension_semantics<subcore_parallel>], iteration_bounds = array<i64: 2, 16>, scalar_prefetch = 0 : i64, scratch_operands = 5 : i64, tpu.core_type = #tpu.core_type<sc_vector_subcore>, window_params = [{transform_indices = #map}, {transform_indices = #map1}, {transform_indices = #map}]} {
    %mul3A = arith.constant 2 : i32
    %mul3A_0 = arith.muli %arg1, %mul3A : i32
    %add3A = arith.addi %mul3A_0, %arg0 : i32
    %mul3A_1 = arith.constant 160 : i32
    %mul3A_2 = arith.muli %add3A, %mul3A_1 : i32
    "tpu.region"() ({
      %run_scoped3A = tpu.sem_alloc : memref<!tpu.dma_semaphore, #tpu.memory_space<semaphore_mem>>
      %dma_start3A = tpu.memref_slice %arg3[%mul3A_2] : memref<5120xi32, #tpu.memory_space<hbm>> -> memref<160xi32, #tpu.memory_space<hbm>>
      %dma_start3A_8 = tpu.memref_slice %arg3[%mul3A_2] : memref<5120xi32, #tpu.memory_space<hbm>> -> memref<160xi32, #tpu.memory_space<hbm>>
      tpu.enqueue_dma source(%dma_start3A_8 : memref<160xi32, #tpu.memory_space<hbm>>) target(%arg5 : memref<160xi32, #tpu.memory_space<vmem>>) target_semaphore(%run_scoped3A : memref<!tpu.dma_semaphore, #tpu.memory_space<semaphore_mem>>)
      %dma_wait3A = tpu.memref_slice %arg3[%mul3A_2] : memref<5120xi32, #tpu.memory_space<hbm>> -> memref<160xi32, #tpu.memory_space<hbm>>
      %dma_wait3A_9 = tpu.memref_slice %arg3[%mul3A_2] : memref<5120xi32, #tpu.memory_space<hbm>> -> memref<160xi32, #tpu.memory_space<hbm>>
      tpu.wait_dma2 semaphore(%run_scoped3A : memref<!tpu.dma_semaphore, #tpu.memory_space<semaphore_mem>>) src(%dma_wait3A_9 : memref<160xi32, #tpu.memory_space<hbm>>) dst(%arg5 : memref<160xi32, #tpu.memory_space<vmem>>)
      tpu.yield
    }) : () -> ()
    %scan3A = arith.constant 0 : i32
    %scan3A_3 = arith.constant 0 : i32
    %scan3A_4 = arith.constant 2 : i32
    %scan3A_5 = arith.addi %scan3A_3, %scan3A_4 : i32
    %scan3A_6 = arith.constant 1 : i32
    scf.for %scan3A_8 = %scan3A_3 to %scan3A_5 step %scan3A_6  : i32 {
      %mul3A_9 = arith.constant 2 : i32
      %mul3A_10 = arith.muli %scan3A_8, %mul3A_9 : i32
      %mul3A_11 = arith.constant 40 : i32
      %mul3A_12 = arith.muli %mul3A_10, %mul3A_11 : i32
      %add3A_13 = arith.constant 40 : i32
      %add3A_14 = arith.addi %mul3A_12, %add3A_13 : i32
      %dma_start3A = tpu.memref_slice %arg5[%mul3A_12] : memref<160xi32, #tpu.memory_space<vmem>> -> memref<40xi32, #tpu.memory_space<vmem>>
      %dma_start3A_15 = arith.constant 0 : i32
      %dma_start3A_16 = arith.constant 0 : i32
      %dma_start3A_17 = tpu.memref_slice %arg2[%dma_start3A_15, %dma_start3A_16] : memref<4096x1024xf32, #tpu.memory_space<hbm>> -> memref<4096x1024xf32, #tpu.memory_space<hbm>>
      tpu.enqueue_indirect_dma source(%dma_start3A_17 : memref<4096x1024xf32, #tpu.memory_space<hbm>>) target(%arg6 : memref<40x1024xf32, #tpu.memory_space<vmem>>) offsets(%dma_start3A : memref<40xi32, #tpu.memory_space<vmem>>) semaphore(%arg8 : memref<!tpu.dma_semaphore, #tpu.memory_space<semaphore_mem>>)
      %dma_start3A_18 = tpu.memref_slice %arg5[%add3A_14] : memref<160xi32, #tpu.memory_space<vmem>> -> memref<40xi32, #tpu.memory_space<vmem>>
      %dma_start3A_19 = arith.constant 0 : i32
      %dma_start3A_20 = arith.constant 0 : i32
      %dma_start3A_21 = tpu.memref_slice %arg2[%dma_start3A_19, %dma_start3A_20] : memref<4096x1024xf32, #tpu.memory_space<hbm>> -> memref<4096x1024xf32, #tpu.memory_space<hbm>>
      tpu.enqueue_indirect_dma source(%dma_start3A_21 : memref<4096x1024xf32, #tpu.memory_space<hbm>>) target(%arg7 : memref<40x1024xf32, #tpu.memory_space<vmem>>) offsets(%dma_start3A_18 : memref<40xi32, #tpu.memory_space<vmem>>) semaphore(%arg9 : memref<!tpu.dma_semaphore, #tpu.memory_space<semaphore_mem>>)
      %dma_wait3A = tpu.memref_slice %arg5[%mul3A_12] : memref<160xi32, #tpu.memory_space<vmem>> -> memref<40xi32, #tpu.memory_space<vmem>>
      %dma_wait3A_22 = arith.constant 0 : i32
      %dma_wait3A_23 = arith.constant 0 : i32
      %dma_wait3A_24 = tpu.memref_slice %arg2[%dma_wait3A_22, %dma_wait3A_23] : memref<4096x1024xf32, #tpu.memory_space<hbm>> -> memref<4096x1024xf32, #tpu.memory_space<hbm>>
      tpu.wait_indirect_dma semaphore(%arg8 : memref<!tpu.dma_semaphore, #tpu.memory_space<semaphore_mem>>) src(%dma_wait3A_24 : memref<4096x1024xf32, #tpu.memory_space<hbm>>) dst(%arg6 : memref<40x1024xf32, #tpu.memory_space<vmem>>)
      %add3A_25 = arith.addi %mul3A_2, %mul3A_12 : i32
      "tpu.region"() ({
        %run_scoped3A = tpu.sem_alloc : memref<!tpu.dma_semaphore, #tpu.memory_space<semaphore_mem>>
        %dma_start3A_31 = arith.constant 0 : i32
        %dma_start3A_32 = tpu.memref_slice %arg4[%add3A_25, %dma_start3A_31] : memref<5120x1024xf32, #tpu.memory_space<hbm>> -> memref<40x1024xf32, #tpu.memory_space<hbm>>
        %dma_start3A_33 = arith.constant 0 : i32
        %dma_start3A_34 = tpu.memref_slice %arg4[%add3A_25, %dma_start3A_33] : memref<5120x1024xf32, #tpu.memory_space<hbm>> -> memref<40x1024xf32, #tpu.memory_space<hbm>>
        tpu.enqueue_dma source(%arg6 : memref<40x1024xf32, #tpu.memory_space<vmem>>) target(%dma_start3A_34 : memref<40x1024xf32, #tpu.memory_space<hbm>>) target_semaphore(%run_scoped3A : memref<!tpu.dma_semaphore, #tpu.memory_space<semaphore_mem>>)
        %dma_wait3A_35 = arith.constant 0 : i32
        %dma_wait3A_36 = tpu.memref_slice %arg4[%add3A_25, %dma_wait3A_35] : memref<5120x1024xf32, #tpu.memory_space<hbm>> -> memref<40x1024xf32, #tpu.memory_space<hbm>>
        %dma_wait3A_37 = arith.constant 0 : i32
        %dma_wait3A_38 = tpu.memref_slice %arg4[%add3A_25, %dma_wait3A_37] : memref<5120x1024xf32, #tpu.memory_space<hbm>> -> memref<40x1024xf32, #tpu.memory_space<hbm>>
        tpu.wait_dma2 semaphore(%run_scoped3A : memref<!tpu.dma_semaphore, #tpu.memory_space<semaphore_mem>>) src(%arg6 : memref<40x1024xf32, #tpu.memory_space<vmem>>) dst(%dma_wait3A_38 : memref<40x1024xf32, #tpu.memory_space<hbm>>)
        tpu.yield
      }) : () -> ()
      %dma_wait3A_26 = tpu.memref_slice %arg5[%add3A_14] : memref<160xi32, #tpu.memory_space<vmem>> -> memref<40xi32, #tpu.memory_space<vmem>>
      %dma_wait3A_27 = arith.constant 0 : i32
      %dma_wait3A_28 = arith.constant 0 : i32
      %dma_wait3A_29 = tpu.memref_slice %arg2[%dma_wait3A_27, %dma_wait3A_28] : memref<4096x1024xf32, #tpu.memory_space<hbm>> -> memref<4096x1024xf32, #tpu.memory_space<hbm>>
      tpu.wait_indirect_dma semaphore(%arg9 : memref<!tpu.dma_semaphore, #tpu.memory_space<semaphore_mem>>) src(%dma_wait3A_29 : memref<4096x1024xf32, #tpu.memory_space<hbm>>) dst(%arg7 : memref<40x1024xf32, #tpu.memory_space<vmem>>)
      %add3A_30 = arith.addi %mul3A_2, %add3A_14 : i32
      "tpu.region"() ({
        %run_scoped3A = tpu.sem_alloc : memref<!tpu.dma_semaphore, #tpu.memory_space<semaphore_mem>>
        %dma_start3A_31 = arith.constant 0 : i32
        %dma_start3A_32 = tpu.memref_slice %arg4[%add3A_30, %dma_start3A_31] : memref<5120x1024xf32, #tpu.memory_space<hbm>> -> memref<40x1024xf32, #tpu.memory_space<hbm>>
        %dma_start3A_33 = arith.constant 0 : i32
        %dma_start3A_34 = tpu.memref_slice %arg4[%add3A_30, %dma_start3A_33] : memref<5120x1024xf32, #tpu.memory_space<hbm>> -> memref<40x1024xf32, #tpu.memory_space<hbm>>
        tpu.enqueue_dma source(%arg7 : memref<40x1024xf32, #tpu.memory_space<vmem>>) target(%dma_start3A_34 : memref<40x1024xf32, #tpu.memory_space<hbm>>) target_semaphore(%run_scoped3A : memref<!tpu.dma_semaphore, #tpu.memory_space<semaphore_mem>>)
        %dma_wait3A_35 = arith.constant 0 : i32
        %dma_wait3A_36 = tpu.memref_slice %arg4[%add3A_30, %dma_wait3A_35] : memref<5120x1024xf32, #tpu.memory_space<hbm>> -> memref<40x1024xf32, #tpu.memory_space<hbm>>
        %dma_wait3A_37 = arith.constant 0 : i32
        %dma_wait3A_38 = tpu.memref_slice %arg4[%add3A_30, %dma_wait3A_37] : memref<5120x1024xf32, #tpu.memory_space<hbm>> -> memref<40x1024xf32, #tpu.memory_space<hbm>>
        tpu.wait_dma2 semaphore(%run_scoped3A : memref<!tpu.dma_semaphore, #tpu.memory_space<semaphore_mem>>) src(%arg7 : memref<40x1024xf32, #tpu.memory_space<vmem>>) dst(%dma_wait3A_38 : memref<40x1024xf32, #tpu.memory_space<hbm>>)
        tpu.yield
      }) : () -> ()
    }
    %scan3A_7 = arith.constant 2 : i32
    return
  }
}

#map = affine_map<(d0, d1) -> (0, 0)>
#map1 = affine_map<(d0, d1) -> (0)>
module attributes {stable_mosaic.version = 14 : i64} {
  func.func @gk(%arg0: i32, %arg1: i32, %arg2: memref<4096x1024xf32, #tpu.memory_space<hbm>>, %arg3: memref<5120xi32, #tpu.memory_space<hbm>>, %arg4: memref<5120x1024xf32, #tpu.memory_space<hbm>>, %arg5: memref<160xi32, #tpu.memory_space<vmem>>, %arg6: memref<40x1024xf32, #tpu.memory_space<vmem>>, %arg7: memref<40x1024xf32, #tpu.memory_space<vmem>>, %arg8: memref<!tpu.dma_semaphore, #tpu.memory_space<semaphore_mem>>, %arg9: memref<!tpu.dma_semaphore, #tpu.memory_space<semaphore_mem>>) attributes {dimension_semantics = [#tpu.dimension_semantics<core_parallel>, #tpu.dimension_semantics<subcore_parallel>], iteration_bounds = array<i64: 2, 16>, scalar_prefetch = 0 : i64, scratch_operands = 5 : i64, tpu.core_type = #tpu.core_type<sc_vector_subcore>, window_params = [{transform_indices = #map}, {transform_indices = #map1}, {transform_indices = #map}]} {
    %mul3A = arith.constant 2 : i32
    %mul3A_0 = arith.muli %arg1, %mul3A : i32
    %add3A = arith.addi %mul3A_0, %arg0 : i32
    %mul3A_1 = arith.constant 160 : i32
    %mul3A_2 = arith.muli %add3A, %mul3A_1 : i32
    "tpu.region"() ({
      %run_scoped3A = tpu.sem_alloc : memref<!tpu.dma_semaphore, #tpu.memory_space<semaphore_mem>>
      %dma_start3A = tpu.memref_slice %arg3[%mul3A_2] : memref<5120xi32, #tpu.memory_space<hbm>> -> memref<160xi32, #tpu.memory_space<hbm>>
      %dma_start3A_8 = tpu.memref_slice %arg3[%mul3A_2] : memref<5120xi32, #tpu.memory_space<hbm>> -> memref<160xi32, #tpu.memory_space<hbm>>
      tpu.enqueue_dma source(%dma_start3A_8 : memref<160xi32, #tpu.memory_space<hbm>>) target(%arg5 : memref<160xi32, #tpu.memory_space<vmem>>) target_semaphore(%run_scoped3A : memref<!tpu.dma_semaphore, #tpu.memory_space<semaphore_mem>>)
      %dma_wait3A = tpu.memref_slice %arg3[%mul3A_2] : memref<5120xi32, #tpu.memory_space<hbm>> -> memref<160xi32, #tpu.memory_space<hbm>>
      %dma_wait3A_9 = tpu.memref_slice %arg3[%mul3A_2] : memref<5120xi32, #tpu.memory_space<hbm>> -> memref<160xi32, #tpu.memory_space<hbm>>
      tpu.wait_dma2 semaphore(%run_scoped3A : memref<!tpu.dma_semaphore, #tpu.memory_space<semaphore_mem>>) src(%dma_wait3A_9 : memref<160xi32, #tpu.memory_space<hbm>>) dst(%arg5 : memref<160xi32, #tpu.memory_space<vmem>>)
      tpu.yield
    }) : () -> ()
    %scan3A = arith.constant 0 : i32
    %scan3A_3 = arith.constant 0 : i32
    %scan3A_4 = arith.constant 2 : i32
    %scan3A_5 = arith.addi %scan3A_3, %scan3A_4 : i32
    %scan3A_6 = arith.constant 1 : i32
    scf.for %scan3A_8 = %scan3A_3 to %scan3A_5 step %scan3A_6  : i32 {
      %mul3A_9 = arith.constant 2 : i32
      %mul3A_10 = arith.muli %scan3A_8, %mul3A_9 : i32
      %mul3A_11 = arith.constant 40 : i32
      %mul3A_12 = arith.muli %mul3A_10, %mul3A_11 : i32
      %add3A_13 = arith.constant 40 : i32
      %add3A_14 = arith.addi %mul3A_12, %add3A_13 : i32
      %dma_start3A = tpu.memref_slice %arg5[%mul3A_12] : memref<160xi32, #tpu.memory_space<vmem>> -> memref<40xi32, #tpu.memory_space<vmem>>
      %dma_start3A_15 = arith.constant 0 : i32
      %dma_start3A_16 = arith.constant 0 : i32
      %dma_start3A_17 = tpu.memref_slice %arg2[%dma_start3A_15, %dma_start3A_16] : memref<4096x1024xf32, #tpu.memory_space<hbm>> -> memref<4096x1024xf32, #tpu.memory_space<hbm>>
      tpu.enqueue_indirect_dma source(%dma_start3A_17 : memref<4096x1024xf32, #tpu.memory_space<hbm>>) target(%arg6 : memref<40x1024xf32, #tpu.memory_space<vmem>>) offsets(%dma_start3A : memref<40xi32, #tpu.memory_space<vmem>>) semaphore(%arg8 : memref<!tpu.dma_semaphore, #tpu.memory_space<semaphore_mem>>)
      %dma_start3A_18 = tpu.memref_slice %arg5[%add3A_14] : memref<160xi32, #tpu.memory_space<vmem>> -> memref<40xi32, #tpu.memory_space<vmem>>
      %dma_start3A_19 = arith.constant 0 : i32
      %dma_start3A_20 = arith.constant 0 : i32
      %dma_start3A_21 = tpu.memref_slice %arg2[%dma_start3A_19, %dma_start3A_20] : memref<4096x1024xf32, #tpu.memory_space<hbm>> -> memref<4096x1024xf32, #tpu.memory_space<hbm>>
      tpu.enqueue_indirect_dma source(%dma_start3A_21 : memref<4096x1024xf32, #tpu.memory_space<hbm>>) target(%arg7 : memref<40x1024xf32, #tpu.memory_space<vmem>>) offsets(%dma_start3A_18 : memref<40xi32, #tpu.memory_space<vmem>>) semaphore(%arg9 : memref<!tpu.dma_semaphore, #tpu.memory_space<semaphore_mem>>)
      %dma_wait3A = tpu.memref_slice %arg5[%mul3A_12] : memref<160xi32, #tpu.memory_space<vmem>> -> memref<40xi32, #tpu.memory_space<vmem>>
      %dma_wait3A_22 = arith.constant 0 : i32
      %dma_wait3A_23 = arith.constant 0 : i32
      %dma_wait3A_24 = tpu.memref_slice %arg2[%dma_wait3A_22, %dma_wait3A_23] : memref<4096x1024xf32, #tpu.memory_space<hbm>> -> memref<4096x1024xf32, #tpu.memory_space<hbm>>
      tpu.wait_indirect_dma semaphore(%arg8 : memref<!tpu.dma_semaphore, #tpu.memory_space<semaphore_mem>>) src(%dma_wait3A_24 : memref<4096x1024xf32, #tpu.memory_space<hbm>>) dst(%arg6 : memref<40x1024xf32, #tpu.memory_space<vmem>>)
      %add3A_25 = arith.addi %mul3A_2, %mul3A_12 : i32
      "tpu.region"() ({
        %run_scoped3A = tpu.sem_alloc : memref<!tpu.dma_semaphore, #tpu.memory_space<semaphore_mem>>
        %dma_start3A_31 = arith.constant 0 : i32
        %dma_start3A_32 = tpu.memref_slice %arg4[%add3A_25, %dma_start3A_31] : memref<5120x1024xf32, #tpu.memory_space<hbm>> -> memref<40x1024xf32, #tpu.memory_space<hbm>>
        %dma_start3A_33 = arith.constant 0 : i32
        %dma_start3A_34 = tpu.memref_slice %arg4[%add3A_25, %dma_start3A_33] : memref<5120x1024xf32, #tpu.memory_space<hbm>> -> memref<40x1024xf32, #tpu.memory_space<hbm>>
        tpu.enqueue_dma source(%arg6 : memref<40x1024xf32, #tpu.memory_space<vmem>>) target(%dma_start3A_34 : memref<40x1024xf32, #tpu.memory_space<hbm>>) target_semaphore(%run_scoped3A : memref<!tpu.dma_semaphore, #tpu.memory_space<semaphore_mem>>)
        %dma_wait3A_35 = arith.constant 0 : i32
        %dma_wait3A_36 = tpu.memref_slice %arg4[%add3A_25, %dma_wait3A_35] : memref<5120x1024xf32, #tpu.memory_space<hbm>> -> memref<40x1024xf32, #tpu.memory_space<hbm>>
        %dma_wait3A_37 = arith.constant 0 : i32
        %dma_wait3A_38 = tpu.memref_slice %arg4[%add3A_25, %dma_wait3A_37] : memref<5120x1024xf32, #tpu.memory_space<hbm>> -> memref<40x1024xf32, #tpu.memory_space<hbm>>
        tpu.wait_dma2 semaphore(%run_scoped3A : memref<!tpu.dma_semaphore, #tpu.memory_space<semaphore_mem>>) src(%arg6 : memref<40x1024xf32, #tpu.memory_space<vmem>>) dst(%dma_wait3A_38 : memref<40x1024xf32, #tpu.memory_space<hbm>>)
        tpu.yield
      }) : () -> ()
      %dma_wait3A_26 = tpu.memref_slice %arg5[%add3A_14] : memref<160xi32, #tpu.memory_space<vmem>> -> memref<40xi32, #tpu.memory_space<vmem>>
      %dma_wait3A_27 = arith.constant 0 : i32
      %dma_wait3A_28 = arith.constant 0 : i32
      %dma_wait3A_29 = tpu.memref_slice %arg2[%dma_wait3A_27, %dma_wait3A_28] : memref<4096x1024xf32, #tpu.memory_space<hbm>> -> memref<4096x1024xf32, #tpu.memory_space<hbm>>
      tpu.wait_indirect_dma semaphore(%arg9 : memref<!tpu.dma_semaphore, #tpu.memory_space<semaphore_mem>>) src(%dma_wait3A_29 : memref<4096x1024xf32, #tpu.memory_space<hbm>>) dst(%arg7 : memref<40x1024xf32, #tpu.memory_space<vmem>>)
      %add3A_30 = arith.addi %mul3A_2, %add3A_14 : i32
      "tpu.region"() ({
        %run_scoped3A = tpu.sem_alloc : memref<!tpu.dma_semaphore, #tpu.memory_space<semaphore_mem>>
        %dma_start3A_31 = arith.constant 0 : i32
        %dma_start3A_32 = tpu.memref_slice %arg4[%add3A_30, %dma_start3A_31] : memref<5120x1024xf32, #tpu.memory_space<hbm>> -> memref<40x1024xf32, #tpu.memory_space<hbm>>
        %dma_start3A_33 = arith.constant 0 : i32
        %dma_start3A_34 = tpu.memref_slice %arg4[%add3A_30, %dma_start3A_33] : memref<5120x1024xf32, #tpu.memory_space<hbm>> -> memref<40x1024xf32, #tpu.memory_space<hbm>>
        tpu.enqueue_dma source(%arg7 : memref<40x1024xf32, #tpu.memory_space<vmem>>) target(%dma_start3A_34 : memref<40x1024xf32, #tpu.memory_space<hbm>>) target_semaphore(%run_scoped3A : memref<!tpu.dma_semaphore, #tpu.memory_space<semaphore_mem>>)
        %dma_wait3A_35 = arith.constant 0 : i32
        %dma_wait3A_36 = tpu.memref_slice %arg4[%add3A_30, %dma_wait3A_35] : memref<5120x1024xf32, #tpu.memory_space<hbm>> -> memref<40x1024xf32, #tpu.memory_space<hbm>>
        %dma_wait3A_37 = arith.constant 0 : i32
        %dma_wait3A_38 = tpu.memref_slice %arg4[%add3A_30, %dma_wait3A_37] : memref<5120x1024xf32, #tpu.memory_space<hbm>> -> memref<40x1024xf32, #tpu.memory_space<hbm>>
        tpu.wait_dma2 semaphore(%run_scoped3A : memref<!tpu.dma_semaphore, #tpu.memory_space<semaphore_mem>>) src(%arg7 : memref<40x1024xf32, #tpu.memory_space<vmem>>) dst(%dma_wait3A_38 : memref<40x1024xf32, #tpu.memory_space<hbm>>)
        tpu.yield
      }) : () -> ()
    }
    %scan3A_7 = arith.constant 2 : i32
    return
  }
}

module attributes {stable_mosaic.version = 14 : i64} {
  func.func @_logits_body(%arg0: i32, %arg1: memref<256x1024xf32, #tpu.memory_space<vmem>>, %arg2: memref<8x1024xf32, #tpu.memory_space<vmem>>, %arg3: memref<1x8xf32, #tpu.memory_space<vmem>>, %arg4: memref<256x8xf32, #tpu.memory_space<vmem>>) attributes {dimension_semantics = [#tpu.dimension_semantics<arbitrary>], iteration_bounds = array<i64: 16>, scalar_prefetch = 0 : i64, scratch_operands = 0 : i64, tpu.core_type = #tpu.core_type<tc>, window_params = [{transform_indices = @transform_0, window_bounds = array<i64: 256, 1024>}, {pipeline_mode = #tpu.pipeline_mode<synchronous>, transform_indices = @transform_1, window_bounds = array<i64: 8, 1024>}, {pipeline_mode = #tpu.pipeline_mode<synchronous>, transform_indices = @transform_2, window_bounds = array<i64: 1, 8>}, {transform_indices = @transform_3, window_bounds = array<i64: 256, 8>}]} {
    %get3A = arith.constant 0 : index
    %get3A_0 = arith.constant 0 : index
    %get3A_1 = vector.load %arg1[%get3A, %get3A_0] : memref<256x1024xf32, #tpu.memory_space<vmem>>, vector<256x1024xf32>
    %get3A_2 = arith.constant 0 : index
    %get3A_3 = arith.constant 0 : index
    %get3A_4 = vector.load %arg2[%get3A_2, %get3A_3] : memref<8x1024xf32, #tpu.memory_space<vmem>>, vector<8x1024xf32>
    %dot_general3A = arith.constant dense<0.000000e+00> : vector<256x8xf32>
    %dot_general3A_5 = tpu.matmul %get3A_1, %get3A_4, %dot_general3A {dimension_numbers = #tpu.dot_dimension_numbers<[1], [1], [0], [0], [0, 0, 1, 0], [], []>, transpose_lhs_hint = false} : vector<256x1024xf32>, vector<8x1024xf32>, vector<256x8xf32> -> vector<256x8xf32>
    %get3A_6 = arith.constant 0 : index
    %get3A_7 = arith.constant 0 : index
    %get3A_8 = vector.load %arg3[%get3A_6, %get3A_7] : memref<1x8xf32, #tpu.memory_space<vmem>>, vector<1x8xf32>
    %add3A = vector.broadcast %get3A_8 : vector<1x8xf32> to vector<256x8xf32>
    %add3A_9 = arith.addf %dot_general3A_5, %add3A : vector<256x8xf32>
    %swap3A = arith.constant 0 : index
    %swap3A_10 = arith.constant 0 : index
    %swap3A_11 = vector.load %arg4[%swap3A, %swap3A_10] : memref<256x8xf32, #tpu.memory_space<vmem>>, vector<256x8xf32>
    tpu.vector_store %arg4[%swap3A, %swap3A_10], %add3A_9 {strides = array<i32>} : memref<256x8xf32, #tpu.memory_space<vmem>>, vector<256x8xf32>,
    return
  }
  func.func @transform_0(%arg0: i32) -> (i32, i32) {
    %c0_i32 = arith.constant 0 : i32
    %c0_i32_0 = arith.constant 0 : i32
    return %arg0, %c0_i32 : i32, i32
  }
  func.func @transform_1(%arg0: i32) -> (i32, i32) {
    %c0_i32 = arith.constant 0 : i32
    %c0_i32_0 = arith.constant 0 : i32
    %c0_i32_1 = arith.constant 0 : i32
    return %c0_i32, %c0_i32_0 : i32, i32
  }
  func.func @transform_2(%arg0: i32) -> (i32, i32) {
    %c0_i32 = arith.constant 0 : i32
    %c0_i32_0 = arith.constant 0 : i32
    %c0_i32_1 = arith.constant 0 : i32
    return %c0_i32, %c0_i32_0 : i32, i32
  }
  func.func @transform_3(%arg0: i32) -> (i32, i32) {
    %c0_i32 = arith.constant 0 : i32
    %c0_i32_0 = arith.constant 0 : i32
    return %arg0, %c0_i32 : i32, i32
  }
}

module attributes {stable_mosaic.version = 14 : i64} {
  func.func @_grouped_body(%arg0: i32, %arg1: i32, %arg2: memref<40xi32, #tpu.memory_space<smem>>, %arg3: memref<256x1024xf32, #tpu.memory_space<vmem>>, %arg4: memref<1x2048x1024xf32, #tpu.memory_space<vmem>>, %arg5: memref<1x2048x1024xf32, #tpu.memory_space<vmem>>, %arg6: memref<1x1024x2048xf32, #tpu.memory_space<vmem>>, %arg7: memref<256x1xf32, #tpu.memory_space<vmem>>, %arg8: memref<256x1024xf32, #tpu.memory_space<vmem>>, %arg9: memref<256x1024xf32, #tpu.memory_space<vmem>>) attributes {dimension_semantics = [#tpu.dimension_semantics<arbitrary>, #tpu.dimension_semantics<arbitrary>], iteration_bounds = array<i64: 2, 20>, scalar_prefetch = 1 : i64, scratch_operands = 0 : i64, tpu.core_type = #tpu.core_type<tc>, window_params = [{transform_indices = @transform_0, window_bounds = array<i64: 256, 1024>}, {transform_indices = @transform_1, window_bounds = array<i64: 1, 2048, 1024>}, {transform_indices = @transform_2, window_bounds = array<i64: 1, 2048, 1024>}, {transform_indices = @transform_3, window_bounds = array<i64: 1, 1024, 2048>}, {transform_indices = @transform_4, window_bounds = array<i64: 256, 1>}, {transform_indices = @transform_5, window_bounds = array<i64: 256, 1024>}, {transform_indices = @transform_6, window_bounds = array<i64: 256, 1024>}]} {
    %get3A = arith.constant 0 : index
    %get3A_0 = arith.constant 0 : index
    %get3A_1 = vector.load %arg3[%get3A, %get3A_0] : memref<256x1024xf32, #tpu.memory_space<vmem>>, vector<256x1024xf32>
    %get3A_2 = arith.constant 0 : index
    %get3A_3 = arith.constant 0 : index
    %get3A_4 = arith.constant 0 : index
    %get3A_5 = vector.load %arg4[%get3A_2, %get3A_3, %get3A_4] : memref<1x2048x1024xf32, #tpu.memory_space<vmem>>, vector<1x2048x1024xf32>
    %get3A_6 = vector.shape_cast %get3A_5 : vector<1x2048x1024xf32> to vector<2048x1024xf32>
    %dot_general3A = arith.constant dense<0.000000e+00> : vector<256x2048xf32>
    %dot_general3A_7 = tpu.matmul %get3A_1, %get3A_6, %dot_general3A {dimension_numbers = #tpu.dot_dimension_numbers<[1], [1], [0], [0], [0, 0, 1, 0], [], []>, transpose_lhs_hint = false} : vector<256x1024xf32>, vector<2048x1024xf32>, vector<256x2048xf32> -> vector<256x2048xf32>
    %get3A_8 = arith.constant 0 : index
    %get3A_9 = arith.constant 0 : index
    %get3A_10 = arith.constant 0 : index
    %get3A_11 = vector.load %arg5[%get3A_8, %get3A_9, %get3A_10] : memref<1x2048x1024xf32, #tpu.memory_space<vmem>>, vector<1x2048x1024xf32>
    %get3A_12 = vector.shape_cast %get3A_11 : vector<1x2048x1024xf32> to vector<2048x1024xf32>
    %dot_general3A_13 = arith.constant dense<0.000000e+00> : vector<256x2048xf32>
    %dot_general3A_14 = tpu.matmul %get3A_1, %get3A_12, %dot_general3A_13 {dimension_numbers = #tpu.dot_dimension_numbers<[1], [1], [0], [0], [0, 0, 1, 0], [], []>, transpose_lhs_hint = false} : vector<256x1024xf32>, vector<2048x1024xf32>, vector<256x2048xf32> -> vector<256x2048xf32>
    %logistic3A = arith.negf %dot_general3A_7 : vector<256x2048xf32>
    %logistic3A_15 = math.exp %logistic3A : vector<256x2048xf32>
    %logistic3A_16 = arith.constant 1.000000e+00 : f32
    %logistic3A_17 = vector.broadcast %logistic3A_16 : f32 to vector<256x2048xf32>
    %logistic3A_18 = arith.addf %logistic3A_17, %logistic3A_15 : vector<256x2048xf32>
    %logistic3A_19 = arith.divf %logistic3A_17, %logistic3A_18 : vector<256x2048xf32>
    %mul3A = arith.mulf %dot_general3A_7, %logistic3A_19 : vector<256x2048xf32>
    %mul3A_20 = arith.mulf %mul3A, %dot_general3A_14 : vector<256x2048xf32>
    %get3A_21 = arith.constant 0 : index
    %get3A_22 = arith.constant 0 : index
    %get3A_23 = arith.constant 0 : index
    %get3A_24 = vector.load %arg6[%get3A_21, %get3A_22, %get3A_23] : memref<1x1024x2048xf32, #tpu.memory_space<vmem>>, vector<1x1024x2048xf32>
    %get3A_25 = vector.shape_cast %get3A_24 : vector<1x1024x2048xf32> to vector<1024x2048xf32>
    %dot_general3A_26 = arith.constant dense<0.000000e+00> : vector<256x1024xf32>
    %dot_general3A_27 = tpu.matmul %mul3A_20, %get3A_25, %dot_general3A_26 {dimension_numbers = #tpu.dot_dimension_numbers<[1], [1], [0], [0], [0, 0, 1, 0], [], []>, transpose_lhs_hint = false} : vector<256x2048xf32>, vector<1024x2048xf32>, vector<256x1024xf32> -> vector<256x1024xf32>
    %eq3A = arith.constant 0 : i32
    %eq3A_28 = arith.cmpi eq, %arg0, %eq3A : i32
    %get3A_29 = arith.constant 0 : index
    %get3A_30 = arith.constant 0 : index
    %get3A_31 = vector.load %arg8[%get3A_29, %get3A_30] : memref<256x1024xf32, #tpu.memory_space<vmem>>, vector<256x1024xf32>
    %add3A = arith.addf %get3A_31, %dot_general3A_27 : vector<256x1024xf32>
    %select_n3A = arith.select %eq3A_28, %dot_general3A_27, %add3A : vector<256x1024xf32>
    %ne3A = arith.constant 1 : i32
    %ne3A_32 = arith.cmpi ne, %arg0, %ne3A : i32
    %convert_element_type3A = arith.extui %ne3A_32 : i1 to i32
    %cond3A = arith.constant 0 : i32
    %cond3A_33 = arith.cmpi ne, %convert_element_type3A, %cond3A : i32
    scf.if %cond3A_33 {
      %swap3A = arith.constant 0 : index
      %swap3A_39 = arith.constant 0 : index
      %swap3A_40 = vector.load %arg9[%swap3A, %swap3A_39] : memref<256x1024xf32, #tpu.memory_space<vmem>>, vector<256x1024xf32>
      tpu.vector_store %arg9[%swap3A, %swap3A_39], %select_n3A {strides = array<i32>} : memref<256x1024xf32, #tpu.memory_space<vmem>>, vector<256x1024xf32>,
    } else {
    }
    %eq3A_34 = arith.constant 1 : i32
    %eq3A_35 = arith.cmpi eq, %arg0, %eq3A_34 : i32
    %convert_element_type3A_36 = arith.extui %eq3A_35 : i1 to i32
    %cond3A_37 = arith.constant 0 : i32
    %cond3A_38 = arith.cmpi ne, %convert_element_type3A_36, %cond3A_37 : i32
    scf.if %cond3A_38 {
      %get3A_39 = arith.constant 0 : index
      %get3A_40 = arith.constant 0 : index
      %get3A_41 = vector.load %arg7[%get3A_39, %get3A_40] : memref<256x1xf32, #tpu.memory_space<vmem>>, vector<256x1xf32>
      %mul3A_42 = vector.broadcast %get3A_41 : vector<256x1xf32> to vector<256x1024xf32>
      %mul3A_43 = arith.mulf %select_n3A, %mul3A_42 : vector<256x1024xf32>
      %swap3A = arith.constant 0 : index
      %swap3A_44 = arith.constant 0 : index
      %swap3A_45 = vector.load %arg9[%swap3A, %swap3A_44] : memref<256x1024xf32, #tpu.memory_space<vmem>>, vector<256x1024xf32>
      tpu.vector_store %arg9[%swap3A, %swap3A_44], %mul3A_43 {strides = array<i32>} : memref<256x1024xf32, #tpu.memory_space<vmem>>, vector<256x1024xf32>,
    } else {
    }
    return
  }
  func.func @transform_0(%arg0: i32, %arg1: i32, %arg2: memref<40xi32, #tpu.memory_space<smem>>) -> (i32, i32) {
    %c0_i32 = arith.constant 0 : i32
    %c0_i32_0 = arith.constant 0 : i32
    return %arg1, %c0_i32 : i32, i32
  }
  func.func @transform_1(%arg0: i32, %arg1: i32, %arg2: memref<40xi32, #tpu.memory_space<smem>>) -> (i32, i32, i32) {
    %add3A = arith.constant 0 : i32
    %add3A_0 = arith.addi %arg1, %add3A : i32
    %get3A = arith.index_cast %add3A_0 : i32 to index
    %get3A_1 = memref.load %arg2[%get3A] : memref<40xi32, #tpu.memory_space<smem>>
    %c0_i32 = arith.constant 0 : i32
    %c0_i32_2 = arith.constant 0 : i32
    return %get3A_1, %arg0, %c0_i32 : i32, i32, i32
  }
  func.func @transform_2(%arg0: i32, %arg1: i32, %arg2: memref<40xi32, #tpu.memory_space<smem>>) -> (i32, i32, i32) {
    %add3A = arith.constant 0 : i32
    %add3A_0 = arith.addi %arg1, %add3A : i32
    %get3A = arith.index_cast %add3A_0 : i32 to index
    %get3A_1 = memref.load %arg2[%get3A] : memref<40xi32, #tpu.memory_space<smem>>
    %c0_i32 = arith.constant 0 : i32
    %c0_i32_2 = arith.constant 0 : i32
    return %get3A_1, %arg0, %c0_i32 : i32, i32, i32
  }
  func.func @transform_3(%arg0: i32, %arg1: i32, %arg2: memref<40xi32, #tpu.memory_space<smem>>) -> (i32, i32, i32) {
    %add3A = arith.constant 0 : i32
    %add3A_0 = arith.addi %arg1, %add3A : i32
    %get3A = arith.index_cast %add3A_0 : i32 to index
    %get3A_1 = memref.load %arg2[%get3A] : memref<40xi32, #tpu.memory_space<smem>>
    %c0_i32 = arith.constant 0 : i32
    %c0_i32_2 = arith.constant 0 : i32
    return %get3A_1, %c0_i32, %arg0 : i32, i32, i32
  }
  func.func @transform_4(%arg0: i32, %arg1: i32, %arg2: memref<40xi32, #tpu.memory_space<smem>>) -> (i32, i32) {
    %add3A = arith.constant 0 : i32
    %add3A_0 = arith.addi %arg1, %add3A : i32
    %c0_i32 = arith.constant 0 : i32
    %c0_i32_1 = arith.constant 0 : i32
    return %add3A_0, %c0_i32 : i32, i32
  }
  func.func @transform_5(%arg0: i32, %arg1: i32, %arg2: memref<40xi32, #tpu.memory_space<smem>>) -> (i32, i32) {
    %eq3A = arith.constant 0 : i32
    %eq3A_0 = arith.cmpi eq, %arg0, %eq3A : i32
    %add3A = arith.constant 0 : i32
    %add3A_1 = arith.addi %arg1, %add3A : i32
    %jit3A = arith.constant 19 : i32
    %select_n3A = arith.select %eq3A_0, %jit3A, %add3A_1 : i32
    %c0_i32 = arith.constant 0 : i32
    %c0_i32_2 = arith.constant 0 : i32
    return %select_n3A, %c0_i32 : i32, i32
  }
  func.func @transform_6(%arg0: i32, %arg1: i32, %arg2: memref<40xi32, #tpu.memory_space<smem>>) -> (i32, i32) {
    %add3A = arith.constant 0 : i32
    %add3A_0 = arith.addi %arg1, %add3A : i32
    %c0_i32 = arith.constant 0 : i32
    %c0_i32_1 = arith.constant 0 : i32
    return %add3A_0, %c0_i32 : i32, i32
  }
}

module attributes {stable_mosaic.version = 14 : i64} {
  func.func @_grouped_body(%arg0: i32, %arg1: i32, %arg2: memref<40xi32, #tpu.memory_space<smem>>, %arg3: memref<256x1024xf32, #tpu.memory_space<vmem>>, %arg4: memref<1x2048x1024xf32, #tpu.memory_space<vmem>>, %arg5: memref<1x2048x1024xf32, #tpu.memory_space<vmem>>, %arg6: memref<1x1024x2048xf32, #tpu.memory_space<vmem>>, %arg7: memref<256x1xf32, #tpu.memory_space<vmem>>, %arg8: memref<256x1024xf32, #tpu.memory_space<vmem>>, %arg9: memref<256x1024xf32, #tpu.memory_space<vmem>>) attributes {dimension_semantics = [#tpu.dimension_semantics<arbitrary>, #tpu.dimension_semantics<arbitrary>], iteration_bounds = array<i64: 2, 20>, scalar_prefetch = 1 : i64, scratch_operands = 0 : i64, tpu.core_type = #tpu.core_type<tc>, window_params = [{transform_indices = @transform_0, window_bounds = array<i64: 256, 1024>}, {transform_indices = @transform_1, window_bounds = array<i64: 1, 2048, 1024>}, {transform_indices = @transform_2, window_bounds = array<i64: 1, 2048, 1024>}, {transform_indices = @transform_3, window_bounds = array<i64: 1, 1024, 2048>}, {transform_indices = @transform_4, window_bounds = array<i64: 256, 1>}, {transform_indices = @transform_5, window_bounds = array<i64: 256, 1024>}, {transform_indices = @transform_6, window_bounds = array<i64: 256, 1024>}]} {
    %get3A = arith.constant 0 : index
    %get3A_0 = arith.constant 0 : index
    %get3A_1 = vector.load %arg3[%get3A, %get3A_0] : memref<256x1024xf32, #tpu.memory_space<vmem>>, vector<256x1024xf32>
    %get3A_2 = arith.constant 0 : index
    %get3A_3 = arith.constant 0 : index
    %get3A_4 = arith.constant 0 : index
    %get3A_5 = vector.load %arg4[%get3A_2, %get3A_3, %get3A_4] : memref<1x2048x1024xf32, #tpu.memory_space<vmem>>, vector<1x2048x1024xf32>
    %get3A_6 = vector.shape_cast %get3A_5 : vector<1x2048x1024xf32> to vector<2048x1024xf32>
    %dot_general3A = arith.constant dense<0.000000e+00> : vector<256x2048xf32>
    %dot_general3A_7 = tpu.matmul %get3A_1, %get3A_6, %dot_general3A {dimension_numbers = #tpu.dot_dimension_numbers<[1], [1], [0], [0], [0, 0, 1, 0], [], []>, transpose_lhs_hint = false} : vector<256x1024xf32>, vector<2048x1024xf32>, vector<256x2048xf32> -> vector<256x2048xf32>
    %get3A_8 = arith.constant 0 : index
    %get3A_9 = arith.constant 0 : index
    %get3A_10 = arith.constant 0 : index
    %get3A_11 = vector.load %arg5[%get3A_8, %get3A_9, %get3A_10] : memref<1x2048x1024xf32, #tpu.memory_space<vmem>>, vector<1x2048x1024xf32>
    %get3A_12 = vector.shape_cast %get3A_11 : vector<1x2048x1024xf32> to vector<2048x1024xf32>
    %dot_general3A_13 = arith.constant dense<0.000000e+00> : vector<256x2048xf32>
    %dot_general3A_14 = tpu.matmul %get3A_1, %get3A_12, %dot_general3A_13 {dimension_numbers = #tpu.dot_dimension_numbers<[1], [1], [0], [0], [0, 0, 1, 0], [], []>, transpose_lhs_hint = false} : vector<256x1024xf32>, vector<2048x1024xf32>, vector<256x2048xf32> -> vector<256x2048xf32>
    %logistic3A = arith.negf %dot_general3A_7 : vector<256x2048xf32>
    %logistic3A_15 = math.exp %logistic3A : vector<256x2048xf32>
    %logistic3A_16 = arith.constant 1.000000e+00 : f32
    %logistic3A_17 = vector.broadcast %logistic3A_16 : f32 to vector<256x2048xf32>
    %logistic3A_18 = arith.addf %logistic3A_17, %logistic3A_15 : vector<256x2048xf32>
    %logistic3A_19 = arith.divf %logistic3A_17, %logistic3A_18 : vector<256x2048xf32>
    %mul3A = arith.mulf %dot_general3A_7, %logistic3A_19 : vector<256x2048xf32>
    %mul3A_20 = arith.mulf %mul3A, %dot_general3A_14 : vector<256x2048xf32>
    %get3A_21 = arith.constant 0 : index
    %get3A_22 = arith.constant 0 : index
    %get3A_23 = arith.constant 0 : index
    %get3A_24 = vector.load %arg6[%get3A_21, %get3A_22, %get3A_23] : memref<1x1024x2048xf32, #tpu.memory_space<vmem>>, vector<1x1024x2048xf32>
    %get3A_25 = vector.shape_cast %get3A_24 : vector<1x1024x2048xf32> to vector<1024x2048xf32>
    %dot_general3A_26 = arith.constant dense<0.000000e+00> : vector<256x1024xf32>
    %dot_general3A_27 = tpu.matmul %mul3A_20, %get3A_25, %dot_general3A_26 {dimension_numbers = #tpu.dot_dimension_numbers<[1], [1], [0], [0], [0, 0, 1, 0], [], []>, transpose_lhs_hint = false} : vector<256x2048xf32>, vector<1024x2048xf32>, vector<256x1024xf32> -> vector<256x1024xf32>
    %eq3A = arith.constant 0 : i32
    %eq3A_28 = arith.cmpi eq, %arg0, %eq3A : i32
    %get3A_29 = arith.constant 0 : index
    %get3A_30 = arith.constant 0 : index
    %get3A_31 = vector.load %arg8[%get3A_29, %get3A_30] : memref<256x1024xf32, #tpu.memory_space<vmem>>, vector<256x1024xf32>
    %add3A = arith.addf %get3A_31, %dot_general3A_27 : vector<256x1024xf32>
    %select_n3A = arith.select %eq3A_28, %dot_general3A_27, %add3A : vector<256x1024xf32>
    %ne3A = arith.constant 1 : i32
    %ne3A_32 = arith.cmpi ne, %arg0, %ne3A : i32
    %convert_element_type3A = arith.extui %ne3A_32 : i1 to i32
    %cond3A = arith.constant 0 : i32
    %cond3A_33 = arith.cmpi ne, %convert_element_type3A, %cond3A : i32
    scf.if %cond3A_33 {
      %swap3A = arith.constant 0 : index
      %swap3A_39 = arith.constant 0 : index
      %swap3A_40 = vector.load %arg9[%swap3A, %swap3A_39] : memref<256x1024xf32, #tpu.memory_space<vmem>>, vector<256x1024xf32>
      tpu.vector_store %arg9[%swap3A, %swap3A_39], %select_n3A {strides = array<i32>} : memref<256x1024xf32, #tpu.memory_space<vmem>>, vector<256x1024xf32>,
    } else {
    }
    %eq3A_34 = arith.constant 1 : i32
    %eq3A_35 = arith.cmpi eq, %arg0, %eq3A_34 : i32
    %convert_element_type3A_36 = arith.extui %eq3A_35 : i1 to i32
    %cond3A_37 = arith.constant 0 : i32
    %cond3A_38 = arith.cmpi ne, %convert_element_type3A_36, %cond3A_37 : i32
    scf.if %cond3A_38 {
      %get3A_39 = arith.constant 0 : index
      %get3A_40 = arith.constant 0 : index
      %get3A_41 = vector.load %arg7[%get3A_39, %get3A_40] : memref<256x1xf32, #tpu.memory_space<vmem>>, vector<256x1xf32>
      %mul3A_42 = vector.broadcast %get3A_41 : vector<256x1xf32> to vector<256x1024xf32>
      %mul3A_43 = arith.mulf %select_n3A, %mul3A_42 : vector<256x1024xf32>
      %swap3A = arith.constant 0 : index
      %swap3A_44 = arith.constant 0 : index
      %swap3A_45 = vector.load %arg9[%swap3A, %swap3A_44] : memref<256x1024xf32, #tpu.memory_space<vmem>>, vector<256x1024xf32>
      tpu.vector_store %arg9[%swap3A, %swap3A_44], %mul3A_43 {strides = array<i32>} : memref<256x1024xf32, #tpu.memory_space<vmem>>, vector<256x1024xf32>,
    } else {
    }
    return
  }
  func.func @transform_0(%arg0: i32, %arg1: i32, %arg2: memref<40xi32, #tpu.memory_space<smem>>) -> (i32, i32) {
    %c0_i32 = arith.constant 0 : i32
    %c0_i32_0 = arith.constant 0 : i32
    return %arg1, %c0_i32 : i32, i32
  }
  func.func @transform_1(%arg0: i32, %arg1: i32, %arg2: memref<40xi32, #tpu.memory_space<smem>>) -> (i32, i32, i32) {
    %add3A = arith.constant 20 : i32
    %add3A_0 = arith.addi %arg1, %add3A : i32
    %get3A = arith.index_cast %add3A_0 : i32 to index
    %get3A_1 = memref.load %arg2[%get3A] : memref<40xi32, #tpu.memory_space<smem>>
    %c0_i32 = arith.constant 0 : i32
    %c0_i32_2 = arith.constant 0 : i32
    return %get3A_1, %arg0, %c0_i32 : i32, i32, i32
  }
  func.func @transform_2(%arg0: i32, %arg1: i32, %arg2: memref<40xi32, #tpu.memory_space<smem>>) -> (i32, i32, i32) {
    %add3A = arith.constant 20 : i32
    %add3A_0 = arith.addi %arg1, %add3A : i32
    %get3A = arith.index_cast %add3A_0 : i32 to index
    %get3A_1 = memref.load %arg2[%get3A] : memref<40xi32, #tpu.memory_space<smem>>
    %c0_i32 = arith.constant 0 : i32
    %c0_i32_2 = arith.constant 0 : i32
    return %get3A_1, %arg0, %c0_i32 : i32, i32, i32
  }
  func.func @transform_3(%arg0: i32, %arg1: i32, %arg2: memref<40xi32, #tpu.memory_space<smem>>) -> (i32, i32, i32) {
    %add3A = arith.constant 20 : i32
    %add3A_0 = arith.addi %arg1, %add3A : i32
    %get3A = arith.index_cast %add3A_0 : i32 to index
    %get3A_1 = memref.load %arg2[%get3A] : memref<40xi32, #tpu.memory_space<smem>>
    %c0_i32 = arith.constant 0 : i32
    %c0_i32_2 = arith.constant 0 : i32
    return %get3A_1, %c0_i32, %arg0 : i32, i32, i32
  }
  func.func @transform_4(%arg0: i32, %arg1: i32, %arg2: memref<40xi32, #tpu.memory_space<smem>>) -> (i32, i32) {
    %add3A = arith.constant 20 : i32
    %add3A_0 = arith.addi %arg1, %add3A : i32
    %c0_i32 = arith.constant 0 : i32
    %c0_i32_1 = arith.constant 0 : i32
    return %add3A_0, %c0_i32 : i32, i32
  }
  func.func @transform_5(%arg0: i32, %arg1: i32, %arg2: memref<40xi32, #tpu.memory_space<smem>>) -> (i32, i32) {
    %eq3A = arith.constant 0 : i32
    %eq3A_0 = arith.cmpi eq, %arg0, %eq3A : i32
    %add3A = arith.constant 20 : i32
    %add3A_1 = arith.addi %arg1, %add3A : i32
    %jit3A = arith.constant 39 : i32
    %select_n3A = arith.select %eq3A_0, %jit3A, %add3A_1 : i32
    %c0_i32 = arith.constant 0 : i32
    %c0_i32_2 = arith.constant 0 : i32
    return %select_n3A, %c0_i32 : i32, i32
  }
  func.func @transform_6(%arg0: i32, %arg1: i32, %arg2: memref<40xi32, #tpu.memory_space<smem>>) -> (i32, i32) {
    %add3A = arith.constant 20 : i32
    %add3A_0 = arith.addi %arg1, %add3A : i32
    %c0_i32 = arith.constant 0 : i32
    %c0_i32_1 = arith.constant 0 : i32
    return %add3A_0, %c0_i32 : i32, i32
  }
}

</mosaic_0001>

<sc_bundles>
// kernel: gather_offload_async_start
scs
__scs_entry_jumppad:
0x0: {  	(pc) =	sbr.rel $0x88, $3  }
0x1: {  	(tag) =	ssettag $0x0;
	lr =	simm.s32 $0x1  }
0x2: {  	[smem:$0x3F9B] =	sst lr;
	_ =	strace $0xD0000000  }
0x3: {  	_ = 	snop  }
0x4: {  	_ = 	snop  }
0x5: {  	_ = 	snop  }
0x6: {  	_ = 	snop  }
0x7: {  	_ = 	snop  }
__scs_overlays_trampoline_lowered:
0x8: {  	[smem:$0x3FAA] =	sst s0  }
0x9: {  	[smem:$0x3FAB] =	sst s1  }
0xa: {  	[smem:$0x3FAC] =	sst s2  }
0xb: {  	[smem:$0x3FAD] =	sst s3  }
0xc: {  	[smem:$0x3FAE] =	sst s4  }
0xd: {  	[smem:$0x3FAF] =	sst s5  }
0xe: {  	[smem:$0x3FB0] =	sst s6  }
0xf: {  	[smem:$0x3FB1] =	sst s7  }
0x10: {  	[smem:$0x3FB2] =	sst s8  }
0x11: {  	[smem:$0x3FB3] =	sst s9;
	s0 =	simm.s32 @!p0 $0x0  }
0x12: {  	s1 =	sld [smem:$0x3F99];
	s0 =	simm.s32 @p0 $0x1  }
0x13: {  	[smem:$0x3FB4] =	sst s0;
	s0 =	simm.s32 @!p1 $0x0  }
0x14: {  	s2 =	sld [smem:$0x3F98];
	s0 =	simm.s32 @p1 $0x1  }
0x15: {  	[smem:$0x3FB5] =	sst s0;
	s0 =	simm.s32 @!p2 $0x0  }
0x16: {  	s3 =	sld [smem:$0x3FDB];
	s0 =	simm.s32 @p2 $0x1  }
0x17: {  	s4 =	simm.s32 $0x1BF5;
	[smem:$0x3FB7] =	sst s0  }
0x18: {  	s0 =	sld [smem:$0x3F9A];
	_ =	swait.ge [sflag:s4], $0x0  }
0x19: {  	s7 =	sld [smem:$0x3F9B]  }
0x1a: {  	s8 =	sadd.s32 $0xFFFFE003, lr  }
0x1b: {  	s9 =	sadd.s32 $0xFFFFFEF7, lr;
	s5 =	simm.s32 $0xFFFFFFFF;
	p2 =	slt.u32 s8, $0xFFFFF086  }
0x1c: {  	p1 =	slt.u32 s9, $0xF7A;
	s5 =	simm.s32 @!p2 $0x0  }
0x1d: {  	s5 =	simm.s32 @p1 $0x1;
	p0 =	seq.s32 s7, s2  }
0x1e: {  	s7 =	smul.u32 @!p0 $0xF7A, s2;
	p2 =	seq.s32 @!p0 s5, $0x0  }
0x1f: {  	s9 =	smul.u32 $0xF7A, s1;
	s8 =	simm.s32 @!p0 $0x1BF5;
	p2 =	por !p2, p0  }
0x20: {  	[sflag:s8] =	ssyncset.s32 @!p0 $0xFFFFF086;
	s6 =	sadd.s32 @!p0 s3, s7;
	s7 =	simm.s32 @!p0 $0x108  }
0x21: {  	s3 =	sadd.s32 s3, s9;
	s6 =	sadd.s32 @!p0 $0x88, s6;
	s7 =	simm.s32 @p2 $0x1082  }
0x22: {  	[simem:s7], [sflag:s8] =	dma.local @!p0 [hbm:s6], $0xF7A  }
0x23: {  	s9 =	sor.u32 $0xD0000000, s2;
	s6 =	simm.s32 $0x108;
	_ =	swait.ge @!p0 [sflag:s8], $0x0  }
0x24: {  	s3 =	sadd.s32 $0x88, s3;
	s6 =	simm.s32 @!p1 $0x1082;
	[sflag:s4] =	ssyncset.s32 $0xFFFFF086  }
0x25: {  	[simem:s6], [sflag:s4] =	dma.local [hbm:s3], $0xF7A  }
0x26: {  	[smem:$0x3F9B] =	sst s1;
	(tag) =	ssettag s2;
	_ =	strace s9  }
0x27: {  	s1 =	sld [smem:$0x3FAB]  }
0x28: {  	s2 =	sld [smem:$0x3FAC]  }
0x29: {  	s4 =	sld [smem:$0x3FAE]  }
0x2a: {  	p0 =	seq.s32 s5, $0x0;
	s5 =	sld [smem:$0x3FAF]  }
0x2b: {  	s6 =	sld [smem:$0x3FB0]  }
0x2c: {  	s7 =	sld [smem:$0x3FB1]  }
0x2d: {  	s3 =	simm.s32 $0x108;
	s8 =	sld [smem:$0x3FB2]  }
0x2e: {  	s3 =	simm.s32 @!p0 $0x1082;
	s9 =	sld [smem:$0x3FB3]  }
0x2f: {  	lr =	sadd.s32 s0, s3;
	s0 =	sld [smem:$0x3FAA]  }
0x30: {  	s3 =	sld [smem:$0x3FAD]  }
0x31: {  	[smem:$0x3FB6] =	sst s10  }
0x32: {  	s10 =	sld [smem:$0x3FB4];
	_ =	sdelay $0x3  }
0x33: {  	p0 =	seq.s32 s10, $0x1;
	s10 =	sld [smem:$0x3FB6];
	_ =	sdelay $0x3  }
0x34: {  	[smem:$0x3FB6] =	sst s10  }
0x35: {  	s10 =	sld [smem:$0x3FB5];
	_ =	sdelay $0x3  }
0x36: {  	p1 =	seq.s32 s10, $0x1;
	s10 =	sld [smem:$0x3FB6];
	_ =	sdelay $0x3  }
0x37: {  	[smem:$0x3FB6] =	sst s10  }
0x38: {  	s10 =	sld [smem:$0x3FB7]  }
0x39: {  	_ = 	snop;
	(pc) =	sbr.ind lr, $3  }
0x3a: {  	_ = 	snop  }
0x3b: {  	_ = 	snop  }
0x3c: {  	p2 =	seq.s32 s10, $0x1;
	s10 =	sld [smem:$0x3FB6]  }
0x3d: {  	_ =	shalt  }
0x3e: {  	_ =	shalt  }
0x3f: {  	_ =	shalt  }
0x40: {  	_ =	shalt  }
0x41: {  	_ =	shalt  }
0x42: {  	_ =	shalt  }
0x43: {  	_ =	shalt  }
0x44: {  	_ =	shalt  }
0x45: {  	_ =	shalt  }
0x46: {  	_ =	shalt  }
0x47: {  	_ =	shalt  }
0x48: {  	_ =	shalt  }
0x49: {  	_ =	shalt  }
0x4a: {  	_ =	shalt  }
0x4b: {  	_ =	shalt  }
0x4c: {  	_ =	shalt  }
0x4d: {  	_ =	shalt  }
0x4e: {  	_ =	shalt  }
0x4f: {  	_ =	shalt  }
0x50: {  	_ =	shalt  }
0x51: {  	_ =	shalt  }
0x52: {  	_ =	shalt  }
0x53: {  	_ =	shalt  }
0x54: {  	_ =	shalt  }
0x55: {  	_ =	shalt  }
0x56: {  	_ =	shalt  }
0x57: {  	_ =	shalt  }
0x58: {  	_ =	shalt  }
0x59: {  	_ =	shalt  }
0x5a: {  	_ =	shalt  }
0x5b: {  	_ =	shalt  }
0x5c: {  	_ =	shalt  }
0x5d: {  	_ =	shalt  }
0x5e: {  	_ =	shalt  }
0x5f: {  	_ =	shalt  }
0x60: {  	_ =	shalt  }
0x61: {  	_ =	shalt  }
0x62: {  	_ =	shalt  }
0x63: {  	_ =	shalt  }
0x64: {  	_ =	shalt  }
0x65: {  	_ =	shalt  }
0x66: {  	_ =	shalt  }
0x67: {  	_ =	shalt  }
0x68: {  	_ =	shalt  }
0x69: {  	_ =	shalt  }
0x6a: {  	_ =	shalt  }
0x6b: {  	_ =	shalt  }
0x6c: {  	_ =	shalt  }
0x6d: {  	_ =	shalt  }
0x6e: {  	_ =	shalt  }
0x6f: {  	_ =	shalt  }
0x70: {  	_ =	shalt  }
0x71: {  	_ =	shalt  }
0x72: {  	_ =	shalt  }
0x73: {  	_ =	shalt  }
0x74: {  	_ =	shalt  }
0x75: {  	_ =	shalt  }
0x76: {  	_ =	shalt  }
0x77: {  	_ =	shalt  }
0x78: {  	_ =	shalt  }
0x79: {  	_ =	shalt  }
0x7a: {  	_ =	shalt  }
0x7b: {  	_ =	shalt  }
0x7c: {  	_ =	shalt  }
0x7d: {  	_ =	shalt  }
0x7e: {  	_ =	shalt  }
0x7f: {  	_ =	shalt  }
0x80: {  	_ =	shalt  }
0x81: {  	_ =	shalt  }
0x82: {  	_ =	shalt  }
0x83: {  	_ =	shalt  }
0x84: {  	_ =	shalt  }
0x85: {  	_ =	shalt  }
0x86: {  	_ =	shalt  }
0x87: {  	_ =	shalt  }
.Lfunc_end0:
.L_simem_size_0:
called_computation_lowered:
.L_overlay_start_0:
0x88: {  	s2 =	sld [smem:$0x3FD9]  }
0x89: {  	s3 =	sld [smem:$0x3FFE];
	_ =	sdelay $0x1  }
0x8a: {  	s1 =	srdreg.scid  }
0x8b: {  	s0 =	sand.u32 $0x1, s1  }
0x8c: {  	s14 =	sshll.u32 s0, $0xA;
	s2 =	sadd.s32 s3, s2  }
0x8d: {  	s2 =	sadd.s32 s2, s14  }
0x8e: {  	[smem:$0x3FC2] =	sst s2  }
0x8f: {  	_ = 	snop  }
0x90: {  	s2 =	sld [smem:$0x3FD0];
	_ =	sdelay $0x2  }
0x91: {  	s15 =	simm.s32 $0xB;
	s4 =	simm.s32 $0x10  }
0x92: {  	[smem:s4], [sflag:s15] =	dma.local [hbm:s2], $0x1  }
0x93: {  	_ =	swait.eq [sflag:s15], $0x1  }
0x94: {  	[sflag:s15] =	ssyncset.done $0x0  }
0x95: {  	s16 =	sld [smem:$0x10];
	[sflag:s15] =	ssyncadd.s32 $0xFFFFFFFF  }
0x96: {  	s17 =	sld [smem:$0x11];
	(tm) =	ssettm $0x1  }
0x97: {  	s18 =	sld [smem:$0x3FFB];
	_ =	sdelay $0x3  }
0x98: {  	_ =	strace s18  }
0x99: {  	s4 =	sld [smem:$0x3FFC];
	_ =	sdelay $0x3  }
0x9a: {  	_ =	strace s4  }
0x9b: {  	s4 =	sld [smem:$0x3FFD];
	_ =	sdelay $0x3  }
0x9c: {  	_ =	strace s4  }
0x9d: {  	_ =	strace $0x8FFFFFFF  }
0x9e: {  	s19 =	sld [smem:$0x3FDB];
	_ =	sdelay $0x1  }
0x9f: {  	s5 =	simm.s32 $_scs_section_size  }
0xa0: {  	s6 =	simm.s32 $_size__tile_overlayer_lowered;
	s7 =	simm.s32 $_tile_overlayer_lowered  }
0xa1: {  	s22 =	simm.s32 $0x1BFF;
	s21 =	sshll.u32 s7, $0x1;
	s4 =	sadd.s32 s5, s19  }
0xa2: {  	s8 =	simm.s32 $0x0;
	s20 =	sshll.u32 s6, $0x1;
	s6 =	sadd.s32 s21, s4  }
0xa3: {  	[timem:s8], [sflag:s22] =	dma.local [hbm:s6], s20  }
0xa4: {  	_ =	swait.ge [sflag:s22], s20  }
0xa5: {  	s5 =	ssub.s32 $0x0, s20;
	[sflag:s22] =	ssyncset.done $0x0  }
0xa6: {  	[sflag:s22] =	ssyncadd.s32 s5;
	_ =	sdelay $0x1  }
0xa7: {  	s23 =	simm.s32 $0x1B8B  }
0xa8: {  	_ =	swait.ge [sflag:s23], $0x1  }
0xa9: {  	[sflag:s23] =	ssyncset.done $0x0  }
0xaa: {  	s25 =	simm.s32 $0x1B8E;
	s24 =	sld [smem:$0x3FFE];
	[sflag:s23] =	ssyncadd.s32 $0xFFFFFFFF  }
0xab: {  	s26 =	simm.s32 $execute0_lowered;
	[smem:$0x3FD2] =	sst s25  }
0xac: {  	s6 =	sshll.u32 s26, $0x1;
	_ =	strace $0x80000046;
	[dreg:$0x1] =	wrdreg $0xFFFFFFFF  }
0xad: {  	s28 =	simm.s32 $_size_execute0_lowered;
	s4 =	sadd.s32 s4, s6;
	[dreg:$0x0] =	wrdreg $0x0  }
0xae: {  	s6 =	sshll.u32 s28, $0x1;
	[dreg:$0x2] =	wrdreg s4  }
0xaf: {  	[dreg:$0x3] =	wrdreg s6  }
0xb0: {  	[dreg:$0x4] =	wrdreg $0xC0  }
0xb1: {  	_ =	task [dreg:s8], $0x5FFFF  }
0xb2: {  	[dreg:$0x1] =	wrdreg $0xFFFFFFFF  }
0xb3: {  	[dreg:$0x0] =	wrdreg $0x60  }
0xb4: {  	[dreg:$0x2] =	wrdreg s16  }
0xb5: {  	[dreg:$0x3] =	wrdreg s17  }
0xb6: {  	[dreg:$0x4] =	wrdreg s24  }
0xb7: {  	[dreg:$0x5] =	wrdreg $0x9  }
0xb8: {  	_ =	task.clear_ibuf [dreg:s8], $0x6FFFF;
	_ =	strace $0x90000046  }
0xb9: {  	s29 =	simm.s32 $0x9;
	_ =	strace $0x80000048  }
0xba: {  	_ =	swait.ge [sflag:s29], $0x1  }
0xbb: {  	[sflag:s29] =	ssyncadd.s32 $0xFFFFFFFF  }
0xbc: {  	_ =	strace $0x90000048  }
0xbd: {  	_ =	sfence  }
0xbe: {  	s30 =	sld [smem:$0x0];
	_ =	sdelay $0x2  }
0xbf: {  	s31 =	sshll.u32 s1, $0xD;
	s1 =	sshrl.u32 s1, $0x2  }
0xc0: {  	s3 =	sand.u32 $0x4000, s31;
	s1 =	sadd.s32 s1, s30  }
0xc1: {  	s0 =	sor.u32 s3, s0;
	s1 =	sshll.u32 s1, $0x11  }
0xc2: {  	s0 =	sor.u32 s1, s0  }
0xc3: {  	s0 =	sadd.s32 $0x8F2B, s0  }
0xc4: {  	[sflag:s0] =	ssyncadd.remote.s32 $0x1  }
0xc5: {  	_ =	sfence.sel $0xFFFF  }
0xc6: {  	[dreg:$0x0] =	wrdreg $0xFFFFFFFF;
	(pc) =	sbr.abs _section_cstart, $3  }
0xc7: {  	[dreg:$0x1] =	wrdreg $0xFFFFFFFF  }
0xc8: {  	_ =	task.clear_ibuf [dreg:s8], $0x2FFFF;
	_ =	strace $0x9FFFFFFF  }
0xc9: {  	(tm) =	ssettm $0x7FFFFFFF  }
tec
execute0_lowered:
.L_overlay_start_1:
0x0: {  	(tag) =	ssettag $0x1  }
0x1: {  	s2 =	rddreg [dreg:$0x0]  }
0x2: {  	s1 =	srdreg.scid;
	s3 =	rddreg [dreg:$0x1]  }
0x3: {  	s0 =	stileid.u32;
	s5 =	rddreg [dreg:$0x2]  }
0x4: {  	s9 =	simm.s32 $0x1;
	s10 =	simm.s32 $0x3;
	s1 =	sshll.u32 s1, $0x7  }
0x5: {  	s13 =	simm.s32 $0x0;
	s4 =	sshll.u32 s0, $0x8;
	s6 =	sand.u32 $0x80, s1  }
0x6: {  	s12 =	simm.s32 $0x0;
	s5 =	sadd.s32 $0x10000, s5;
	s4 =	sor.u32 s4, s6  }
0x7: {  	s1 =	rddreg [dreg:$0x3];
	_ =	strace $0x80000047;
	s8 =	ssub.s32 $0x2000, s4  }
.Ltmp0:
0x8: {  	s6 =	simm.s32 $0x1;
	s7 =	sand.u32 $0xF80, s8;
	(pc) =	sbr.rel .LBB2_1-.Ltmp0, $4  }
0x9: {  	[sflag:s6] =	ssyncpa.u1 $0x0;
	s11 =	smov.u32 s4;
	p0 =	sne.s32 s7, $0x0  }
0xa: {  	s8 =	sshrl.u32 s8, $0xC;
	s7 =	simm.s32 $0x2;
	s9 =	simm.s32 @!p0 $0x0  }
0xb: {  	[sflag:s7] =	ssyncpa.u1 $0x0;
	p0 =	por $0x0, $0x0;
	s8 =	sadd.s32 s9, s8  }
0xc: {  	vm0 =	vmmov $0xffff;
	[sflag:s10] =	ssyncpa.u1 $0x0;
	s10 =	simm.s32 $0x0;
	s9 =	sadd.s32 $0x1, s8  }
.LBB2_4:
0xd: {  	v5 =	vshrl.u32 v1, $0xD;
	v6 =	vshll.u32 v1, $0x7  }
0xe: {  	vm1 =	veq.s32 v1, $0x80000000;
	v58 =	vand.u32 $0x7, v5;
	v59 =	vand.u32 $0xFFF80, v6  }
0xf: {  	v1 =	vsel vm1, $0xFFFFFFFF, v58;
	v5 =	vsel vm1, $0xFFFFFF80, v59  }
0x10: {  	v3 =	vor.u32 v4, v3;
	v60 =	vand.u32 $0xFFFFFC00, v5;
	v61 =	vand.u32 $0xFFFFFC00, v1  }
0x11: {  	v2 =	vor.u32 v2, v3;
	v63 =	vand.u32 $0x380, v5;
	v62 =	vadd.s32 v61, v60  }
0x12: {  	v1 =	vand.u32 $0x7F, v1;
	v3 =	vor.u32 v63, v62  }
0x13: {  	v1 =	vor.u32 v1, v3  }
0x14: {  	[tilespmem:s15], [sflag:$0x1] =	stream.indirect_vreg.gather [hbm4b:s2+s10], $0x1, v0, vm0, $0x4038;
	[tilespmem:$0x200] =	vst v63  }
0x15: {  	(ifvalue) =	ssetifvalue $0x7FFFFFFF  }
0x16: {  	[tilespmem:s16], [sflag:$0x1] =	stream.indirect_vreg.gather [hbm4b:s2+s10], $0x1, v2, vm0, $0x4038;
	[tilespmem:$0x200] =	vst v63  }
0x17: {  	s29 =	sadd.s32 $0x10, s16;
	(ifvalue) =	ssetifvalue $0x7FFFFFFF  }
0x18: {  	[tilespmem:s29], [sflag:$0x1] =	stream.indirect_vreg.gather [hbm4b:s2+s10], $0x1, v1, vm0, $0x4038;
	[tilespmem:$0x200] =	vst v63  }
0x19: {  	_ =	swait.ge [sflag:s6], $0x80  }
0x1a: {  	s30 =	sshrl.u32 s13, $0x3;
	[sflag:s6] =	ssyncset.done $0x0  }
0x1b: {  	s31 =	sand.u32 $0x7, s13;
	s15 =	sadd.s32 s5, s30;
	[sflag:s6] =	ssyncadd.s32 $0xFFFFFF80  }
0x1c: {  	[hbm4b:s15+s31] =	stream.linear.scatter [tilespmem:s14], [sflag:$0x3], $0x80, $0x38;
	[tilespmem:$0x200] =	vst v63  }
.LBB2_5:
0x1d: {  	s15 =	sadd.s32 $0x1000, s11  }
0x1e: {  	p2 =	sgt.s32 s15, $0x1FFF  }
0x1f: {  	s15 =	smov.u32 @p2 s4;
	p2 =	sne.s32 s12, s9  }
.Ltmp1:
0x20: {  	p1 =	slt.u32 s12, $0x2;
	(pc) =	sbr.rel @!p2 .LBB2_6-.Ltmp1, $4  }
0x21: {  	s14 =	simm.s32 @!p1 $0x3  }
0x22: {  	s16 =	sadd.s32 $0x1, s12;
	_ =	swait.ge @!p1 [sflag:s14], $0x80  }
0x23: {  	s13 =	smov.u32 s11;
	p0 =	por !p0, !p0;
	[sflag:s14] =	ssyncset.done @!p1 $0x0  }
0x24: {  	s12 =	smov.u32 s16;
	s11 =	smov.u32 s15;
	[sflag:s14] =	ssyncadd.s32 @!p1 $0xFFFFFF80  }
.LBB2_1:
0x25: {  	p1 =	sge.u32 s12, s8  }
0x26: {  	s14 =	sxor.u32 @!p1 $0xFFFFFFFF, s12  }
0x27: {  	s31 =	sadd.s32 $0xFFFFFFFF, s12;
	s15 =	sshrl.u32 @!p1 s11, $0x3;
	s14 =	sshll.u32 @!p1 s14, $0x7  }
0x28: {  	s16 =	sand.u32 @!p1 $0x7, s11;
	s15 =	sadd.s32 @!p1 s3, s15;
	s14 =	sand.u32 @!p1 $0x80, s14  }
0x29: {  	[tilespmem:s14], [sflag:$0x2] =	stream.linear.gather @!p1 [hbm4b:s15+s16], $0x80, $0x38;
	[tilespmem:$0x200] =	vst v63  }
0x2a: {  	p1 =	sge.u32 s31, s8  }
.Ltmp2:
0x2b: {  	_ = 	snop;
	(pc) =	sbr.rel @p1 .LBB2_5-.Ltmp2, $1  }
0x2c: {  	_ =	sdelay $0x3  }
0x2d: {  	s14 =	simm.s32 $0x1  }
0x2e: {  	_ =	swait.ge [sflag:s7], $0x80;
	s14 =	simm.s32 @!p0 $0x0  }
0x2f: {  	[sflag:s7] =	ssyncset.done $0x0;
	s14 =	sshll.u32 s14, $0x7  }
0x30: {  	[sflag:s7] =	ssyncadd.s32 $0xFFFFFF80;
	(ifvalue) =	ssetifvalue $0x7FFFFFFF;
	v0 =	vld.msk [tilespmem:s14+$0x0 ss:$0x1], $0xffff;
	_ =	sdelay $0x4  }
0x31: {  	s15 =	sadd.s32 $0x10, s14;
	v2 =	vshrl.u32 v0, $0xD;
	v3 =	vshll.u32 v0, $0x7  }
0x32: {  	v1 =	vld.msk [tilespmem:s15+$0x0 ss:$0x1], $0xffff;
	vm1 =	veq.s32 v0, $0x80000000;
	v0 =	vand.u32 $0x7, v2;
	v2 =	vand.u32 $0xFFF80, v3  }
0x33: {  	v0 =	vsel vm1, $0xFFFFFFFF, v0;
	v2 =	vsel vm1, $0xFFFFFF80, v2  }
0x34: {  	v3 =	vand.u32 $0xFFFFFC00, v2;
	v4 =	vand.u32 $0xFFFFFC00, v0  }
0x35: {  	v2 =	vand.u32 $0x380, v2;
	v3 =	vadd.s32 v4, v3  }
0x36: {  	v0 =	vand.u32 $0x7F, v0;
	v2 =	vor.u32 v2, v3  }
0x37: {  	v5 =	vshll.u32 v1, $0x7;
	v4 =	vshrl.u32 v1, $0xD;
	v0 =	vor.u32 v0, v2  }
0x38: {  	s16 =	sshll.u32 s12, $0x7;
	vm1 =	veq.s32 v1, $0x80000000;
	v1 =	vand.u32 $0x7, v4;
	v4 =	vand.u32 $0xFFF80, v5  }
0x39: {  	s16 =	sand.u32 $0x80, s16;
	s18 =	sadd.s32 $0x10, s15;
	v3 =	vsel vm1, $0xFFFFFFFF, v1;
	v4 =	vsel vm1, $0xFFFFFF80, v4  }
0x3a: {  	s17 =	simm.s32 $0x20;
	s15 =	sor.u32 $0x100, s14;
	s14 =	sor.u32 $0x100, s16;
	v1 =	vld.msk [tilespmem:s18+$0x0 ss:$0x1], $0xffff;
	v5 =	vand.u32 $0xFFFFFC00, v4;
	v6 =	vand.u32 $0xFFFFFC00, v3  }
0x3b: {  	s16 =	sadd.s32 $0x10, s15;
	s18 =	sadd.s32 $0x10, s18;
	(ifvalue) =	ssetifvalue $0x7FFFFFFF;
	v2 =	vand.u32 $0x7F, v3;
	v4 =	vand.u32 $0x380, v4;
	v3 =	vadd.s32 v6, v5  }
.LBB2_3:
0x3c: {  	[tilespmem:s15], [sflag:$0x1] =	stream.indirect_vreg.gather [hbm4b:s2+s10], $0x1, v0, vm0, $0x4038;
	[tilespmem:$0x200] =	vst v63  }
0x3d: {  	s17 =	sadd.s32 $0x10, s17  }
0x3e: {  	v3 =	vor.u32 v4, v3;
	p1 =	slt.u32 s17, $0x70  }
.Ltmp3:
0x3f: {  	v4 =	vshrl.u32 v1, $0xD;
	v5 =	vshll.u32 v1, $0x7;
	s15 =	smov.u32 s16;
	v0 =	vor.u32 v2, v3;
	v2 =	vmovc v1;
	v1 =	vld.msk [tilespmem:s18+$0x0 ss:$0x1], $0xffff;
	(pc) =	sbr.rel @p1 .LBB2_3-.Ltmp3, $4  }
0x40: {  	v3 =	vand.u32 $0xFFF80, v5;
	vm1 =	veq.s32 v2, $0x80000000;
	v2 =	vand.u32 $0x7, v4  }
0x41: {  	v4 =	vsel vm1, $0xFFFFFFFF, v2;
	v5 =	vsel vm1, $0xFFFFFF80, v3  }
0x42: {  	v2 =	vand.u32 $0x7F, v4;
	v3 =	vand.u32 $0xFFFFFC00, v5;
	v4 =	vand.u32 $0xFFFFFC00, v4  }
0x43: {  	s16 =	sadd.s32 $0x10, s16;
	s18 =	sadd.s32 $0x10, s18;
	v3 =	vadd.s32 v4, v3;
	v4 =	vand.u32 $0x380, v5;
	(ifvalue) =	ssetifvalue $0x7FFFFFFF  }
.Ltmp4:
0x44: {  	_ = 	snop;
	(pc) =	sbr.rel .LBB2_4-.Ltmp4, $1  }
0x45: {  	_ =	sdelay $0x3  }
.LBB2_6:
0x46: {  	_ =	sfence.sel $0x180000  }
0x47: {  	s2 =	simm.s32 $0x2;
	[bflag:$0x0] =	sbarrier.arrive $0xFFFF  }
0x48: {  	s30 =	simm.s32 $0x3;
	[sflag:s2] =	ssyncpa.u1 $0x1  }
0x49: {  	s31 =	simm.s32 $0x1;
	[sflag:s30] =	ssyncpa.u1 $0x1  }
0x4a: {  	[sflag:s31] =	ssyncpa.u1 $0x1  }
0x4b: {  	p0 =	sne.s32 s0, $0x0;
	_ =	strace $0x90000047  }
0x4c: {  	s0 =	sadd.s32 @!p0 $0x100000, s1;
	[bflag:$0x2] =	sbarrier.arrive $0xFFFF  }
0x4d: {  	[sflag:s0] =	ssyncadd.tile.s32 @!p0 $0x1;
	_ =	shalt  }
.Lfunc_end2:
_tile_overlayer_lowered:
.L_overlay_start_2:
0x4e: {  	(tag) =	ssettag $0x2  }
0x4f: {  	s0 =	rddreg [dreg:$0x0];
	s2 =	stileid.u32  }
0x50: {  	s1 =	rddreg [dreg:$0x1];
	p0 =	sne.s32 s2, $0x0  }
0x51: {  	s3 =	rddreg [dreg:$0x2];
	[bflag:$0x3] =	sbarrier.arrive $0xFFFF;
	s2 =	simm.s32 @!p0 $0x1C01  }
0x52: {  	[timem:s3], [sflag:s2] =	dma.local @!p0 [hbm:s0], s1  }
0x53: {  	s0 =	simm.s32 @!p0 $0x1  }
0x54: {  	_ =	swait.ge @!p0 [sflag:s0], s1  }
0x55: {  	s1 =	ssub.s32 @!p0 $0x0, s1;
	[sflag:s0] =	ssyncset.done @!p0 $0x0  }
0x56: {  	[sflag:s0] =	ssyncadd.s32 @!p0 s1  }
0x57: {  	[bflag:$0x3] =	sbarrier.arrive $0xFFFF  }
0x58: {  	_ =	shalt  }

// kernel: kernel.11.cloned.1.call-start
scs
__scs_entry_jumppad:
0x0: {  	(pc) =	sbr.rel $0x88, $3  }
0x1: {  	(tag) =	ssettag $0x0;
	lr =	simm.s32 $0x1  }
0x2: {  	[smem:$0x3F9B] =	sst lr;
	_ =	strace $0xD0000000  }
0x3: {  	_ = 	snop  }
0x4: {  	_ = 	snop  }
0x5: {  	_ = 	snop  }
0x6: {  	_ = 	snop  }
0x7: {  	_ = 	snop  }
__scs_overlays_trampoline_lowered:
0x8: {  	[smem:$0x3FAA] =	sst s0  }
0x9: {  	[smem:$0x3FAB] =	sst s1  }
0xa: {  	[smem:$0x3FAC] =	sst s2  }
0xb: {  	[smem:$0x3FAD] =	sst s3  }
0xc: {  	[smem:$0x3FAE] =	sst s4  }
0xd: {  	[smem:$0x3FAF] =	sst s5  }
0xe: {  	[smem:$0x3FB0] =	sst s6  }
0xf: {  	[smem:$0x3FB1] =	sst s7  }
0x10: {  	[smem:$0x3FB2] =	sst s8  }
0x11: {  	[smem:$0x3FB3] =	sst s9;
	s0 =	simm.s32 @!p0 $0x0  }
0x12: {  	s1 =	sld [smem:$0x3F99];
	s0 =	simm.s32 @p0 $0x1  }
0x13: {  	[smem:$0x3FB4] =	sst s0;
	s0 =	simm.s32 @!p1 $0x0  }
0x14: {  	s2 =	sld [smem:$0x3F98];
	s0 =	simm.s32 @p1 $0x1  }
0x15: {  	[smem:$0x3FB5] =	sst s0;
	s0 =	simm.s32 @!p2 $0x0  }
0x16: {  	s3 =	sld [smem:$0x3FDB];
	s0 =	simm.s32 @p2 $0x1  }
0x17: {  	s4 =	simm.s32 $0x1BF5;
	[smem:$0x3FB7] =	sst s0  }
0x18: {  	s0 =	sld [smem:$0x3F9A];
	_ =	swait.ge [sflag:s4], $0x0  }
0x19: {  	s7 =	sld [smem:$0x3F9B]  }
0x1a: {  	s8 =	sadd.s32 $0xFFFFE003, lr  }
0x1b: {  	s9 =	sadd.s32 $0xFFFFFEF7, lr;
	s5 =	simm.s32 $0xFFFFFFFF;
	p2 =	slt.u32 s8, $0xFFFFF086  }
0x1c: {  	p1 =	slt.u32 s9, $0xF7A;
	s5 =	simm.s32 @!p2 $0x0  }
0x1d: {  	s5 =	simm.s32 @p1 $0x1;
	p0 =	seq.s32 s7, s2  }
0x1e: {  	s7 =	smul.u32 @!p0 $0xF7A, s2;
	p2 =	seq.s32 @!p0 s5, $0x0  }
0x1f: {  	s9 =	smul.u32 $0xF7A, s1;
	s8 =	simm.s32 @!p0 $0x1BF5;
	p2 =	por !p2, p0  }
0x20: {  	[sflag:s8] =	ssyncset.s32 @!p0 $0xFFFFF086;
	s6 =	sadd.s32 @!p0 s3, s7;
	s7 =	simm.s32 @!p0 $0x108  }
0x21: {  	s3 =	sadd.s32 s3, s9;
	s6 =	sadd.s32 @!p0 $0x88, s6;
	s7 =	simm.s32 @p2 $0x1082  }
0x22: {  	[simem:s7], [sflag:s8] =	dma.local @!p0 [hbm:s6], $0xF7A  }
0x23: {  	s9 =	sor.u32 $0xD0000000, s2;
	s6 =	simm.s32 $0x108;
	_ =	swait.ge @!p0 [sflag:s8], $0x0  }
0x24: {  	s3 =	sadd.s32 $0x88, s3;
	s6 =	simm.s32 @!p1 $0x1082;
	[sflag:s4] =	ssyncset.s32 $0xFFFFF086  }
0x25: {  	[simem:s6], [sflag:s4] =	dma.local [hbm:s3], $0xF7A  }
0x26: {  	[smem:$0x3F9B] =	sst s1;
	(tag) =	ssettag s2;
	_ =	strace s9  }
0x27: {  	s1 =	sld [smem:$0x3FAB]  }
0x28: {  	s2 =	sld [smem:$0x3FAC]  }
0x29: {  	s4 =	sld [smem:$0x3FAE]  }
0x2a: {  	p0 =	seq.s32 s5, $0x0;
	s5 =	sld [smem:$0x3FAF]  }
0x2b: {  	s6 =	sld [smem:$0x3FB0]  }
0x2c: {  	s7 =	sld [smem:$0x3FB1]  }
0x2d: {  	s3 =	simm.s32 $0x108;
	s8 =	sld [smem:$0x3FB2]  }
0x2e: {  	s3 =	simm.s32 @!p0 $0x1082;
	s9 =	sld [smem:$0x3FB3]  }
0x2f: {  	lr =	sadd.s32 s0, s3;
	s0 =	sld [smem:$0x3FAA]  }
0x30: {  	s3 =	sld [smem:$0x3FAD]  }
0x31: {  	[smem:$0x3FB6] =	sst s10  }
0x32: {  	s10 =	sld [smem:$0x3FB4];
	_ =	sdelay $0x3  }
0x33: {  	p0 =	seq.s32 s10, $0x1;
	s10 =	sld [smem:$0x3FB6];
	_ =	sdelay $0x3  }
0x34: {  	[smem:$0x3FB6] =	sst s10  }
0x35: {  	s10 =	sld [smem:$0x3FB5];
	_ =	sdelay $0x3  }
0x36: {  	p1 =	seq.s32 s10, $0x1;
	s10 =	sld [smem:$0x3FB6];
	_ =	sdelay $0x3  }
0x37: {  	[smem:$0x3FB6] =	sst s10  }
0x38: {  	s10 =	sld [smem:$0x3FB7]  }
0x39: {  	_ = 	snop;
	(pc) =	sbr.ind lr, $3  }
0x3a: {  	_ = 	snop  }
0x3b: {  	_ = 	snop  }
0x3c: {  	p2 =	seq.s32 s10, $0x1;
	s10 =	sld [smem:$0x3FB6]  }
0x3d: {  	_ =	shalt  }
0x3e: {  	_ =	shalt  }
0x3f: {  	_ =	shalt  }
0x40: {  	_ =	shalt  }
0x41: {  	_ =	shalt  }
0x42: {  	_ =	shalt  }
0x43: {  	_ =	shalt  }
0x44: {  	_ =	shalt  }
0x45: {  	_ =	shalt  }
0x46: {  	_ =	shalt  }
0x47: {  	_ =	shalt  }
0x48: {  	_ =	shalt  }
0x49: {  	_ =	shalt  }
0x4a: {  	_ =	shalt  }
0x4b: {  	_ =	shalt  }
0x4c: {  	_ =	shalt  }
0x4d: {  	_ =	shalt  }
0x4e: {  	_ =	shalt  }
0x4f: {  	_ =	shalt  }
0x50: {  	_ =	shalt  }
0x51: {  	_ =	shalt  }
0x52: {  	_ =	shalt  }
0x53: {  	_ =	shalt  }
0x54: {  	_ =	shalt  }
0x55: {  	_ =	shalt  }
0x56: {  	_ =	shalt  }
0x57: {  	_ =	shalt  }
0x58: {  	_ =	shalt  }
0x59: {  	_ =	shalt  }
0x5a: {  	_ =	shalt  }
0x5b: {  	_ =	shalt  }
0x5c: {  	_ =	shalt  }
0x5d: {  	_ =	shalt  }
0x5e: {  	_ =	shalt  }
0x5f: {  	_ =	shalt  }
0x60: {  	_ =	shalt  }
0x61: {  	_ =	shalt  }
0x62: {  	_ =	shalt  }
0x63: {  	_ =	shalt  }
0x64: {  	_ =	shalt  }
0x65: {  	_ =	shalt  }
0x66: {  	_ =	shalt  }
0x67: {  	_ =	shalt  }
0x68: {  	_ =	shalt  }
0x69: {  	_ =	shalt  }
0x6a: {  	_ =	shalt  }
0x6b: {  	_ =	shalt  }
0x6c: {  	_ =	shalt  }
0x6d: {  	_ =	shalt  }
0x6e: {  	_ =	shalt  }
0x6f: {  	_ =	shalt  }
0x70: {  	_ =	shalt  }
0x71: {  	_ =	shalt  }
0x72: {  	_ =	shalt  }
0x73: {  	_ =	shalt  }
0x74: {  	_ =	shalt  }
0x75: {  	_ =	shalt  }
0x76: {  	_ =	shalt  }
0x77: {  	_ =	shalt  }
0x78: {  	_ =	shalt  }
0x79: {  	_ =	shalt  }
0x7a: {  	_ =	shalt  }
0x7b: {  	_ =	shalt  }
0x7c: {  	_ =	shalt  }
0x7d: {  	_ =	shalt  }
0x7e: {  	_ =	shalt  }
0x7f: {  	_ =	shalt  }
0x80: {  	_ =	shalt  }
0x81: {  	_ =	shalt  }
0x82: {  	_ =	shalt  }
0x83: {  	_ =	shalt  }
0x84: {  	_ =	shalt  }
0x85: {  	_ =	shalt  }
0x86: {  	_ =	shalt  }
0x87: {  	_ =	shalt  }
.Lfunc_end0:
.L_simem_size_0:
called_computation.2_lowered:
.L_overlay_start_0:
0x88: {  	s2 =	sld [smem:$0x3FD9]  }
0x89: {  	s3 =	sld [smem:$0x3FFE];
	_ =	sdelay $0x1  }
0x8a: {  	s1 =	srdreg.scid  }
0x8b: {  	s0 =	sand.u32 $0x1, s1  }
0x8c: {  	s17 =	sshll.u32 s0, $0xA;
	s2 =	sadd.s32 s3, s2  }
0x8d: {  	s2 =	sadd.s32 s2, s17  }
0x8e: {  	[smem:$0x3FC2] =	sst s2  }
0x8f: {  	_ = 	snop  }
0x90: {  	s18 =	sld [smem:$0x3FC9];
	(tm) =	ssettm $0x1  }
0x91: {  	s19 =	sld [smem:$0x3FFB];
	_ =	sdelay $0x3  }
0x92: {  	_ =	strace s19  }
0x93: {  	s2 =	sld [smem:$0x3FFC];
	_ =	sdelay $0x3  }
0x94: {  	_ =	strace s2  }
0x95: {  	s2 =	sld [smem:$0x3FFD];
	_ =	sdelay $0x3  }
0x96: {  	_ =	strace s2  }
0x97: {  	_ =	strace $0x8FFFFFFF  }
0x98: {  	s20 =	sld [smem:$0x3FDB];
	_ =	sdelay $0x1  }
0x99: {  	s4 =	simm.s32 $_scs_section_size  }
0x9a: {  	s5 =	simm.s32 $_size__tile_overlayer_lowered;
	s6 =	simm.s32 $_tile_overlayer_lowered  }
0x9b: {  	s7 =	simm.s32 $0x1BFF;
	s21 =	sshll.u32 s6, $0x1;
	s4 =	sadd.s32 s4, s20  }
0x9c: {  	s22 =	simm.s32 $0x0;
	s5 =	sshll.u32 s5, $0x1;
	s6 =	sadd.s32 s21, s4  }
0x9d: {  	[timem:s22], [sflag:s7] =	dma.local [hbm:s6], s5  }
0x9e: {  	_ =	swait.ge [sflag:s7], s5  }
0x9f: {  	s5 =	ssub.s32 $0x0, s5;
	[sflag:s7] =	ssyncset.done $0x0  }
0xa0: {  	[sflag:s7] =	ssyncadd.s32 s5;
	_ =	sdelay $0x1  }
0xa1: {  	s23 =	simm.s32 $0x1B8B  }
0xa2: {  	_ =	swait.ge [sflag:s23], $0x1  }
0xa3: {  	[sflag:s23] =	ssyncset.done $0x0  }
0xa4: {  	[sflag:s23] =	ssyncadd.s32 $0xFFFFFFFF  }
0xa5: {  	s5 =	sld [smem:$0x0]  }
0xa6: {  	s6 =	sand.u32 $0xFFFFFFFE, s1  }
0xa7: {  	p0 =	sne.s32 s1, s6  }
0xa8: {  	s6 =	sshll.u32 @p0 s6, $0xE  }
0xa9: {  	s6 =	sadd.s32 @p0 $0x11B8D, s6;
	s7 =	sshll.u32 @p0 s5, $0x11  }
0xaa: {  	s6 =	sor.u32 @p0 s7, s6  }
0xab: {  	[sflag:s6] =	ssyncadd.remote.s32 @p0 $0x1;
	_ =	sdelay $0x1  }
0xac: {  	s6 =	simm.s32 @p0 $0x1B8D  }
0xad: {  	_ =	swait.eq @p0 [sflag:s6], $0x1  }
0xae: {  	[sflag:s6] =	ssyncadd.s32 @p0 $0xFFFFFFFF  }
0xaf: {  	s7 =	sshll.u32 @!p0 s1, $0xE  }
0xb0: {  	s7 =	sor.u32 @!p0 $0x4000, s7;
	s6 =	simm.s32 @!p0 $0x1B8D  }
0xb1: {  	s5 =	sshll.u32 @!p0 s5, $0x11;
	s7 =	sadd.s32 @!p0 $0x11B8D, s7;
	_ =	swait.eq @!p0 [sflag:s6], $0x1  }
0xb2: {  	s5 =	sor.u32 @!p0 s5, s7;
	[sflag:s6] =	ssyncadd.s32 @!p0 $0xFFFFFFFF  }
0xb3: {  	s25 =	simm.s32 $0x1B8E;
	s24 =	sld [smem:$0x3FFE];
	[sflag:s5] =	ssyncadd.remote.s32 @!p0 $0x1  }
0xb4: {  	s26 =	simm.s32 $execute0_lowered;
	[smem:$0x3FD2] =	sst s25  }
0xb5: {  	s6 =	sshll.u32 s26, $0x1;
	_ =	strace $0x8000004C;
	[dreg:$0x1] =	wrdreg $0xFFFFFFFF  }
0xb6: {  	s28 =	simm.s32 $_size_execute0_lowered;
	s4 =	sadd.s32 s4, s6;
	[dreg:$0x0] =	wrdreg $0x0  }
0xb7: {  	s6 =	sshll.u32 s28, $0x1;
	[dreg:$0x2] =	wrdreg s4  }
0xb8: {  	[dreg:$0x3] =	wrdreg s6  }
0xb9: {  	[dreg:$0x4] =	wrdreg $0xC0  }
0xba: {  	_ =	task [dreg:s22], $0x5FFFF  }
0xbb: {  	[dreg:$0x1] =	wrdreg $0xFFFFFFFF  }
0xbc: {  	[dreg:$0x0] =	wrdreg $0x60  }
0xbd: {  	[dreg:$0x2] =	wrdreg s18  }
0xbe: {  	[dreg:$0x3] =	wrdreg s24  }
0xbf: {  	[dreg:$0x4] =	wrdreg $0xA  }
0xc0: {  	_ =	task.clear_ibuf [dreg:s22], $0x5FFFF;
	_ =	strace $0x9000004C  }
0xc1: {  	s29 =	simm.s32 $0xA;
	_ =	strace $0x8000004E  }
0xc2: {  	_ =	swait.ge [sflag:s29], $0x1  }
0xc3: {  	[sflag:s29] =	ssyncadd.s32 $0xFFFFFFFF  }
0xc4: {  	_ =	strace $0x9000004E  }
0xc5: {  	_ =	sfence  }
0xc6: {  	s30 =	sld [smem:$0x0];
	_ =	sdelay $0x2  }
0xc7: {  	s31 =	sshll.u32 s1, $0xD;
	s1 =	sshrl.u32 s1, $0x2  }
0xc8: {  	s4 =	sand.u32 $0x4000, s31;
	s1 =	sadd.s32 s1, s30  }
0xc9: {  	s0 =	sor.u32 s4, s0;
	s1 =	sshll.u32 s1, $0x11  }
0xca: {  	s0 =	sor.u32 s1, s0  }
0xcb: {  	s0 =	sadd.s32 $0x8F2B, s0  }
0xcc: {  	[sflag:s0] =	ssyncadd.remote.s32 $0x1  }
0xcd: {  	_ =	sfence.sel $0xFFFF  }
0xce: {  	[dreg:$0x0] =	wrdreg $0xFFFFFFFF;
	(pc) =	sbr.abs _section_cstart, $3  }
0xcf: {  	[dreg:$0x1] =	wrdreg $0xFFFFFFFF  }
0xd0: {  	_ =	task.clear_ibuf [dreg:s22], $0x2FFFF;
	_ =	strace $0x9FFFFFFF  }
0xd1: {  	(tm) =	ssettm $0x7FFFFFFF  }
tec
execute0_lowered:
.L_overlay_start_1:
0x0: {  	(tag) =	ssettag $0x1  }
0x1: {  	s0 =	srdreg.scid;
	s2 =	rddreg [dreg:$0x0]  }
0x2: {  	s1 =	stileid.u32;
	s5 =	rddreg [dreg:$0x1]  }
0x3: {  	s4 =	simm.s32 $0x0;
	s11 =	simm.s32 $0x3;
	s12 =	simm.s32 $0x100  }
0x4: {  	s10 =	simm.s32 $0x900;
	s31 =	simm.s32 $0x1;
	s13 =	simm.s32 $0x0  }
0x5: {  	s17 =	simm.s32 $0xC100;
	s18 =	simm.s32 $0xC900;
	s19 =	simm.s32 $0xD100  }
0x6: {  	s20 =	simm.s32 $0xD900;
	s21 =	simm.s32 $0xE100;
	s22 =	simm.s32 $0xE900  }
0x7: {  	s23 =	simm.s32 $0xF100;
	s24 =	simm.s32 $0xF900;
	s25 =	simm.s32 $0x10100  }
0x8: {  	s26 =	simm.s32 $0x10900;
	s28 =	simm.s32 $0x11100;
	s29 =	simm.s32 $0x11900  }
0x9: {  	s30 =	simm.s32 $0x12100;
	s0 =	sand.u32 $0x1, s0;
	s1 =	sshll.u32 s1, $0x1  }
0xa: {  	s14 =	simm.s32 $0x13100;
	s15 =	simm.s32 $0x13900;
	s1 =	sor.u32 s0, s1  }
0xb: {  	[smem:$0x7FF] =	sst s4;
	s0 =	ssub.s32 $0x2, s0;
	s3 =	smul.u32 $0xA0, s1  }
0xc: {  	s7 =	sadd.s32 $0x100, s2;
	s8 =	sadd.s32 $0x200, s2;
	s6 =	sshrl.u32 s0, $0x1  }
0xd: {  	s9 =	sadd.s32 $0x300, s2;
	s0 =	ssub.s32 s0, s6;
	s1 =	sshrl.u32 s3, $0x3  }
0xe: {  	v2 =	vlaneseq.u32;
	_ =	strace $0x8000004D;
	s0 =	smax.u32 s0, $0x1;
	s1 =	sadd.s32 s1, s5  }
0xf: {  	vm0 =	vmmov $0xffff;
	v1 =	vshrl.u32 v2, $0x3;
	s5 =	sadd.s32 $0xB0400, s5;
	[dreg:$0x4] =	wrdreg s0;
	s1 =	sadd.s32 $0x10000, s1  }
0x10: {  	v0 =	vand.u32 $0x7, v2;
	v2 =	vor.u32 $0x8, v2;
	v1 =	vmul.u32 $0x8, v1;
	s0 =	simm.s32 $0xA100;
	[dreg:$0x3] =	wrdreg s1;
	s1 =	simm.s32 $0x2  }
.LBB2_1:
0x11: {  	[dreg:$0x5] =	wrdreg s13  }
0x12: {  	s6 =	rddreg [dreg:$0x3]  }
0x13: {  	[tilespmem:s4], [sflag:$0x3] =	stream.linear.gather [hbm4b:s6+s4], $0xA0, $0x38;
	[tilespmem:$0x14100] =	vst v63  }
0x14: {  	_ =	swait.ge [sflag:s11], $0xA0  }
0x15: {  	p0 =	por $0x1, $0x1;
	[sflag:s11] =	ssyncset.done $0x0  }
0x16: {  	s13 =	simm.s32 $0x12900;
	s6 =	simm.s32 $0x0;
	[sflag:s11] =	ssyncadd.s32 $0xFFFFFF60  }
.LBB2_2:
0x17: {  	v3 =	vld [tilespmem:s6+$0x0];
	_ =	sdelay $0x4  }
0x18: {  	v4 =	vshll.u32 v3, $0x3  }
0x19: {  	v3 =	vand.u32 $0x7, v3;
	v4 =	vand.u32 $0xFFFFFFC0, v4  }
0x1a: {  	v3 =	vor.u32 v3, v4  }
0x1b: {  	v4 =	vperm.xlane v3, v0;
	_ =	sdelay $0x1  }
0x1c: {  	v4 =	vadd.s32 v1, v4;
	_ =	sdelay $0x4  }
0x1d: {  	[tilespmem:s12], [sflag:$0x1] =	stream.indirect_vreg.gather [hbm4b:s2+s4], $0x80, v4, vm0, $0xb8;
	[tilespmem:$0x14100] =	vst v63  }
0x1e: {  	v3 =	vperm.xlane v3, v2  }
0x1f: {  	[tilespmem:s10], [sflag:$0x1] =	stream.indirect_vreg.gather [hbm4b:s7+s4], $0x80, v4, vm0, $0xb8;
	[tilespmem:$0x14100] =	vst v63  }
0x20: {  	s16 =	simm.s32 $0x1100;
	v3 =	vadd.s32 v1, v3  }
0x21: {  	[tilespmem:s16], [sflag:$0x1] =	stream.indirect_vreg.gather [hbm4b:s8+s4], $0x80, v4, vm0, $0xb8;
	[tilespmem:$0x14100] =	vst v63  }
0x22: {  	s16 =	simm.s32 $0x1900  }
0x23: {  	[tilespmem:s16], [sflag:$0x1] =	stream.indirect_vreg.gather [hbm4b:s9+s4], $0x80, v4, vm0, $0xb8;
	[tilespmem:$0x14100] =	vst v63  }
0x24: {  	s16 =	simm.s32 $0x2100  }
0x25: {  	[tilespmem:s16], [sflag:$0x1] =	stream.indirect_vreg.gather [hbm4b:s2+s4], $0x80, v3, vm0, $0xb8;
	[tilespmem:$0x14100] =	vst v63  }
0x26: {  	s16 =	simm.s32 $0x2900  }
0x27: {  	[tilespmem:s16], [sflag:$0x1] =	stream.indirect_vreg.gather [hbm4b:s7+s4], $0x80, v3, vm0, $0xb8;
	[tilespmem:$0x14100] =	vst v63  }
0x28: {  	s16 =	simm.s32 $0x3100  }
0x29: {  	[tilespmem:s16], [sflag:$0x1] =	stream.indirect_vreg.gather [hbm4b:s8+s4], $0x80, v3, vm0, $0xb8;
	[tilespmem:$0x14100] =	vst v63  }
0x2a: {  	s16 =	simm.s32 $0x3900  }
0x2b: {  	[tilespmem:s16], [sflag:$0x1] =	stream.indirect_vreg.gather [hbm4b:s9+s4], $0x80, v3, vm0, $0xb8;
	[tilespmem:$0x14100] =	vst v63  }
0x2c: {  	v3 =	vld [tilespmem:s6+$0x10];
	_ =	sdelay $0x4  }
0x2d: {  	v59 =	vshll.u32 v3, $0x3  }
0x2e: {  	v3 =	vand.u32 $0x7, v3;
	v4 =	vand.u32 $0xFFFFFFC0, v59  }
0x2f: {  	v3 =	vor.u32 v3, v4  }
0x30: {  	v4 =	vperm.xlane v3, v0;
	_ =	sdelay $0x1  }
0x31: {  	v4 =	vadd.s32 v1, v4;
	_ =	sdelay $0x3  }
0x32: {  	s16 =	simm.s32 $0x4100  }
0x33: {  	[tilespmem:s16], [sflag:$0x1] =	stream.indirect_vreg.gather [hbm4b:s2+s4], $0x80, v4, vm0, $0xb8;
	[tilespmem:$0x14100] =	vst v63  }
0x34: {  	v3 =	vperm.xlane v3, v2;
	s16 =	simm.s32 $0x4900  }
0x35: {  	[tilespmem:s16], [sflag:$0x1] =	stream.indirect_vreg.gather [hbm4b:s7+s4], $0x80, v4, vm0, $0xb8;
	[tilespmem:$0x14100] =	vst v63  }
0x36: {  	v3 =	vadd.s32 v1, v3;
	s16 =	simm.s32 $0x5100  }
0x37: {  	[tilespmem:s16], [sflag:$0x1] =	stream.indirect_vreg.gather [hbm4b:s8+s4], $0x80, v4, vm0, $0xb8;
	[tilespmem:$0x14100] =	vst v63  }
0x38: {  	s16 =	simm.s32 $0x5900  }
0x39: {  	[tilespmem:s16], [sflag:$0x1] =	stream.indirect_vreg.gather [hbm4b:s9+s4], $0x80, v4, vm0, $0xb8;
	[tilespmem:$0x14100] =	vst v63  }
0x3a: {  	s16 =	simm.s32 $0x6100  }
0x3b: {  	[tilespmem:s16], [sflag:$0x1] =	stream.indirect_vreg.gather [hbm4b:s2+s4], $0x80, v3, vm0, $0xb8;
	[tilespmem:$0x14100] =	vst v63  }
0x3c: {  	s16 =	simm.s32 $0x6900  }
0x3d: {  	[tilespmem:s16], [sflag:$0x1] =	stream.indirect_vreg.gather [hbm4b:s7+s4], $0x80, v3, vm0, $0xb8;
	[tilespmem:$0x14100] =	vst v63  }
0x3e: {  	s16 =	simm.s32 $0x7100  }
0x3f: {  	[tilespmem:s16], [sflag:$0x1] =	stream.indirect_vreg.gather [hbm4b:s8+s4], $0x80, v3, vm0, $0xb8;
	[tilespmem:$0x14100] =	vst v63  }
0x40: {  	s16 =	simm.s32 $0x7900  }
0x41: {  	[tilespmem:s16], [sflag:$0x1] =	stream.indirect_vreg.gather [hbm4b:s9+s4], $0x80, v3, vm0, $0xb8;
	[tilespmem:$0x14100] =	vst v63  }
0x42: {  	v3 =	vld.msk [tilespmem:s6+$0x20], $0xff;
	_ =	sdelay $0x4  }
0x43: {  	v60 =	vshll.u32 v3, $0x3  }
0x44: {  	v3 =	vand.u32 $0x7, v3;
	v4 =	vand.u32 $0xFFFFFFC0, v60  }
0x45: {  	v3 =	vor.u32 v3, v4  }
0x46: {  	v3 =	vperm.xlane v3, v0;
	_ =	sdelay $0x1  }
0x47: {  	v3 =	vadd.s32 v1, v3;
	_ =	sdelay $0x3  }
0x48: {  	s16 =	simm.s32 $0x8100  }
0x49: {  	[tilespmem:s16], [sflag:$0x1] =	stream.indirect_vreg.gather [hbm4b:s2+s4], $0x80, v3, vm0, $0xb8;
	[tilespmem:$0x14100] =	vst v63  }
0x4a: {  	s16 =	simm.s32 $0x8900  }
0x4b: {  	[tilespmem:s16], [sflag:$0x1] =	stream.indirect_vreg.gather [hbm4b:s7+s4], $0x80, v3, vm0, $0xb8;
	[tilespmem:$0x14100] =	vst v63  }
0x4c: {  	s16 =	simm.s32 $0x9100  }
0x4d: {  	[tilespmem:s16], [sflag:$0x1] =	stream.indirect_vreg.gather [hbm4b:s8+s4], $0x80, v3, vm0, $0xb8;
	[tilespmem:$0x14100] =	vst v63  }
0x4e: {  	s10 =	sor.u32 $0x28, s6;
	s16 =	simm.s32 $0x9900  }
0x4f: {  	[tilespmem:s16], [sflag:$0x1] =	stream.indirect_vreg.gather [hbm4b:s9+s4], $0x80, v3, vm0, $0xb8;
	[tilespmem:$0x14100] =	vst v63  }
0x50: {  	v3 =	vld [tilespmem:s10+$0x0];
	_ =	sdelay $0x4  }
0x51: {  	v61 =	vshll.u32 v3, $0x3  }
0x52: {  	v3 =	vand.u32 $0x7, v3;
	v4 =	vand.u32 $0xFFFFFFC0, v61  }
0x53: {  	v3 =	vor.u32 v3, v4  }
0x54: {  	v4 =	vperm.xlane v3, v0;
	_ =	sdelay $0x1  }
0x55: {  	v4 =	vadd.s32 v1, v4;
	_ =	sdelay $0x4  }
0x56: {  	[tilespmem:s0], [sflag:$0x2] =	stream.indirect_vreg.gather [hbm4b:s2+s4], $0x80, v4, vm0, $0xb8;
	[tilespmem:$0x14100] =	vst v63  }
0x57: {  	s16 =	simm.s32 $0xA900;
	v3 =	vperm.xlane v3, v2  }
0x58: {  	[tilespmem:s16], [sflag:$0x2] =	stream.indirect_vreg.gather [hbm4b:s7+s4], $0x80, v4, vm0, $0xb8;
	[tilespmem:$0x14100] =	vst v63  }
0x59: {  	v3 =	vadd.s32 v1, v3;
	s16 =	simm.s32 $0xB100  }
0x5a: {  	[tilespmem:s16], [sflag:$0x2] =	stream.indirect_vreg.gather [hbm4b:s8+s4], $0x80, v4, vm0, $0xb8;
	[tilespmem:$0x14100] =	vst v63  }
0x5b: {  	s16 =	simm.s32 $0xB900  }
0x5c: {  	[tilespmem:s16], [sflag:$0x2] =	stream.indirect_vreg.gather [hbm4b:s9+s4], $0x80, v4, vm0, $0xb8;
	[tilespmem:$0x14100] =	vst v63  }
0x5d: {  	_ = 	snop  }
0x5e: {  	[tilespmem:s17], [sflag:$0x2] =	stream.indirect_vreg.gather [hbm4b:s2+s4], $0x80, v3, vm0, $0xb8;
	[tilespmem:$0x14100] =	vst v63  }
0x5f: {  	_ = 	snop  }
0x60: {  	[tilespmem:s18], [sflag:$0x2] =	stream.indirect_vreg.gather [hbm4b:s7+s4], $0x80, v3, vm0, $0xb8;
	[tilespmem:$0x14100] =	vst v63  }
0x61: {  	_ = 	snop  }
0x62: {  	[tilespmem:s19], [sflag:$0x2] =	stream.indirect_vreg.gather [hbm4b:s8+s4], $0x80, v3, vm0, $0xb8;
	[tilespmem:$0x14100] =	vst v63  }
0x63: {  	_ = 	snop  }
0x64: {  	[tilespmem:s20], [sflag:$0x2] =	stream.indirect_vreg.gather [hbm4b:s9+s4], $0x80, v3, vm0, $0xb8;
	[tilespmem:$0x14100] =	vst v63  }
0x65: {  	v3 =	vld [tilespmem:s6+$0x38];
	_ =	sdelay $0x4  }
0x66: {  	v62 =	vshll.u32 v3, $0x3  }
0x67: {  	v3 =	vand.u32 $0x7, v3;
	v4 =	vand.u32 $0xFFFFFFC0, v62  }
0x68: {  	v3 =	vor.u32 v3, v4  }
0x69: {  	v4 =	vperm.xlane v3, v0;
	_ =	sdelay $0x1  }
0x6a: {  	v4 =	vadd.s32 v1, v4;
	_ =	sdelay $0x4  }
0x6b: {  	[tilespmem:s21], [sflag:$0x2] =	stream.indirect_vreg.gather [hbm4b:s2+s4], $0x80, v4, vm0, $0xb8;
	[tilespmem:$0x14100] =	vst v63  }
0x6c: {  	v3 =	vperm.xlane v3, v2  }
0x6d: {  	[tilespmem:s22], [sflag:$0x2] =	stream.indirect_vreg.gather [hbm4b:s7+s4], $0x80, v4, vm0, $0xb8;
	[tilespmem:$0x14100] =	vst v63  }
0x6e: {  	v3 =	vadd.s32 v1, v3  }
0x6f: {  	[tilespmem:s23], [sflag:$0x2] =	stream.indirect_vreg.gather [hbm4b:s8+s4], $0x80, v4, vm0, $0xb8;
	[tilespmem:$0x14100] =	vst v63  }
0x70: {  	_ = 	snop  }
0x71: {  	[tilespmem:s24], [sflag:$0x2] =	stream.indirect_vreg.gather [hbm4b:s9+s4], $0x80, v4, vm0, $0xb8;
	[tilespmem:$0x14100] =	vst v63  }
0x72: {  	_ = 	snop  }
0x73: {  	[tilespmem:s25], [sflag:$0x2] =	stream.indirect_vreg.gather [hbm4b:s2+s4], $0x80, v3, vm0, $0xb8;
	[tilespmem:$0x14100] =	vst v63  }
0x74: {  	_ = 	snop  }
0x75: {  	[tilespmem:s26], [sflag:$0x2] =	stream.indirect_vreg.gather [hbm4b:s7+s4], $0x80, v3, vm0, $0xb8;
	[tilespmem:$0x14100] =	vst v63  }
0x76: {  	_ = 	snop  }
0x77: {  	[tilespmem:s28], [sflag:$0x2] =	stream.indirect_vreg.gather [hbm4b:s8+s4], $0x80, v3, vm0, $0xb8;
	[tilespmem:$0x14100] =	vst v63  }
0x78: {  	_ = 	snop  }
0x79: {  	[tilespmem:s29], [sflag:$0x2] =	stream.indirect_vreg.gather [hbm4b:s9+s4], $0x80, v3, vm0, $0xb8;
	[tilespmem:$0x14100] =	vst v63  }
0x7a: {  	v3 =	vld.msk [tilespmem:s6+$0x48], $0xff;
	_ =	sdelay $0x4  }
0x7b: {  	v63 =	vshll.u32 v3, $0x3  }
0x7c: {  	v3 =	vand.u32 $0x7, v3;
	v4 =	vand.u32 $0xFFFFFFC0, v63  }
0x7d: {  	v3 =	vor.u32 v3, v4  }
0x7e: {  	v3 =	vperm.xlane v3, v0;
	_ =	sdelay $0x1  }
0x7f: {  	v3 =	vadd.s32 v1, v3;
	_ =	sdelay $0x4  }
0x80: {  	[tilespmem:s30], [sflag:$0x2] =	stream.indirect_vreg.gather [hbm4b:s2+s4], $0x80, v3, vm0, $0xb8;
	[tilespmem:$0x14100] =	vst v63  }
0x81: {  	_ = 	snop  }
0x82: {  	[tilespmem:s13], [sflag:$0x2] =	stream.indirect_vreg.gather [hbm4b:s7+s4], $0x80, v3, vm0, $0xb8;
	[tilespmem:$0x14100] =	vst v63  }
0x83: {  	_ = 	snop  }
0x84: {  	[tilespmem:s14], [sflag:$0x2] =	stream.indirect_vreg.gather [hbm4b:s8+s4], $0x80, v3, vm0, $0xb8;
	[tilespmem:$0x14100] =	vst v63  }
0x85: {  	_ = 	snop  }
0x86: {  	[tilespmem:s15], [sflag:$0x2] =	stream.indirect_vreg.gather [hbm4b:s9+s4], $0x80, v3, vm0, $0xb8;
	[tilespmem:$0x14100] =	vst v63  }
0x87: {  	s16 =	sadd.s32 s3, s6;
	_ =	swait.ge [sflag:s31], $0xA000  }
0x88: {  	s6 =	sshll.u32 s16, $0x7;
	[sflag:s31] =	ssyncset.done $0x0  }
0x89: {  	s6 =	sadd.s32 s5, s6;
	[sflag:s31] =	ssyncadd.s32 $0xFFFF6000  }
0x8a: {  	[hbm4b:s6+s4] =	stream.linear.scatter [tilespmem:s12], [sflag:$0x3], $0xA000, $0x38;
	[tilespmem:$0x14100] =	vst v63  }
0x8b: {  	_ =	swait.ge [sflag:s11], $0xA000  }
0x8c: {  	[sflag:s11] =	ssyncset.done $0x0  }
0x8d: {  	[sflag:s11] =	ssyncadd.s32 $0xFFFF6000  }
0x8e: {  	s16 =	sadd.s32 s3, s10;
	_ =	swait.ge [sflag:s1], $0xA000  }
0x8f: {  	p1 =	por p0, p0;
	s6 =	sshll.u32 s16, $0x7;
	[sflag:s1] =	ssyncset.done $0x0  }
.Ltmp0:
0x90: {  	s6 =	sadd.s32 s5, s6;
	[sflag:s1] =	ssyncadd.s32 $0xFFFF6000;
	(pc) =	sbr.rel @p1 .LBB2_2-.Ltmp0, $4  }
0x91: {  	[hbm4b:s6+s4] =	stream.linear.scatter [tilespmem:s0], [sflag:$0x3], $0xA000, $0x38;
	[tilespmem:$0x14100] =	vst v63  }
0x92: {  	_ =	swait.ge [sflag:s11], $0xA000  }
0x93: {  	p0 =	por $0x0, $0x0;
	[sflag:s11] =	ssyncset.done $0x0  }
0x94: {  	s10 =	simm.s32 $0x900;
	s6 =	simm.s32 $0x50;
	[sflag:s11] =	ssyncadd.s32 $0xFFFF6000  }
0x95: {  	s13 =	rddreg [dreg:$0x5]  }
0x96: {  	s6 =	rddreg [dreg:$0x4];
	s13 =	sadd.s32 $0x1, s13  }
0x97: {  	p0 =	sne.s32 s13, s6  }
.Ltmp1:
0x98: {  	_ = 	snop;
	(pc) =	sbr.rel @p0 .LBB2_1-.Ltmp1, $1  }
0x99: {  	_ =	sdelay $0x3  }
0x9a: {  	_ =	sfence.sel $0x180000  }
0x9b: {  	[bflag:$0x0] =	sbarrier.arrive $0xFFFF  }
0x9c: {  	_ =	strace $0x9000004D  }
0x9d: {  	s0 =	stileid.u32;
	[bflag:$0x2] =	sbarrier.arrive $0xFFFF  }
0x9e: {  	p0 =	sne.s32 s0, $0x0;
	s0 =	rddreg [dreg:$0x2]  }
0x9f: {  	s0 =	sadd.s32 @!p0 $0x100000, s0  }
0xa0: {  	[sflag:s0] =	ssyncadd.tile.s32 @!p0 $0x1;
	_ =	shalt  }
.Lfunc_end2:
_tile_overlayer_lowered:
.L_overlay_start_2:
0xa1: {  	(tag) =	ssettag $0x2  }
0xa2: {  	s0 =	rddreg [dreg:$0x0];
	s2 =	stileid.u32  }
0xa3: {  	s1 =	rddreg [dreg:$0x1];
	p0 =	sne.s32 s2, $0x0  }
0xa4: {  	s3 =	rddreg [dreg:$0x2];
	[bflag:$0x3] =	sbarrier.arrive $0xFFFF;
	s2 =	simm.s32 @!p0 $0x1C03  }
0xa5: {  	[timem:s3], [sflag:s2] =	dma.local @!p0 [hbm:s0], s1  }
0xa6: {  	s0 =	simm.s32 @!p0 $0x3  }
0xa7: {  	_ =	swait.ge @!p0 [sflag:s0], s1  }
0xa8: {  	s1 =	ssub.s32 @!p0 $0x0, s1;
	[sflag:s0] =	ssyncset.done @!p0 $0x0  }
0xa9: {  	[sflag:s0] =	ssyncadd.s32 @!p0 s1  }
0xaa: {  	[bflag:$0x3] =	sbarrier.arrive $0xFFFF  }
0xab: {  	_ =	shalt  }

// kernel: kernel.14.cloned.1.call-start
scs
__scs_entry_jumppad:
0x0: {  	(pc) =	sbr.rel $0x88, $3  }
0x1: {  	(tag) =	ssettag $0x0;
	lr =	simm.s32 $0x1  }
0x2: {  	[smem:$0x3F9B] =	sst lr;
	_ =	strace $0xD0000000  }
0x3: {  	_ = 	snop  }
0x4: {  	_ = 	snop  }
0x5: {  	_ = 	snop  }
0x6: {  	_ = 	snop  }
0x7: {  	_ = 	snop  }
__scs_overlays_trampoline_lowered:
0x8: {  	[smem:$0x3FAA] =	sst s0  }
0x9: {  	[smem:$0x3FAB] =	sst s1  }
0xa: {  	[smem:$0x3FAC] =	sst s2  }
0xb: {  	[smem:$0x3FAD] =	sst s3  }
0xc: {  	[smem:$0x3FAE] =	sst s4  }
0xd: {  	[smem:$0x3FAF] =	sst s5  }
0xe: {  	[smem:$0x3FB0] =	sst s6  }
0xf: {  	[smem:$0x3FB1] =	sst s7  }
0x10: {  	[smem:$0x3FB2] =	sst s8  }
0x11: {  	[smem:$0x3FB3] =	sst s9;
	s0 =	simm.s32 @!p0 $0x0  }
0x12: {  	s1 =	sld [smem:$0x3F99];
	s0 =	simm.s32 @p0 $0x1  }
0x13: {  	[smem:$0x3FB4] =	sst s0;
	s0 =	simm.s32 @!p1 $0x0  }
0x14: {  	s2 =	sld [smem:$0x3F98];
	s0 =	simm.s32 @p1 $0x1  }
0x15: {  	[smem:$0x3FB5] =	sst s0;
	s0 =	simm.s32 @!p2 $0x0  }
0x16: {  	s3 =	sld [smem:$0x3FDB];
	s0 =	simm.s32 @p2 $0x1  }
0x17: {  	s4 =	simm.s32 $0x1BF5;
	[smem:$0x3FB7] =	sst s0  }
0x18: {  	s0 =	sld [smem:$0x3F9A];
	_ =	swait.ge [sflag:s4], $0x0  }
0x19: {  	s7 =	sld [smem:$0x3F9B]  }
0x1a: {  	s8 =	sadd.s32 $0xFFFFE003, lr  }
0x1b: {  	s9 =	sadd.s32 $0xFFFFFEF7, lr;
	s5 =	simm.s32 $0xFFFFFFFF;
	p2 =	slt.u32 s8, $0xFFFFF086  }
0x1c: {  	p1 =	slt.u32 s9, $0xF7A;
	s5 =	simm.s32 @!p2 $0x0  }
0x1d: {  	s5 =	simm.s32 @p1 $0x1;
	p0 =	seq.s32 s7, s2  }
0x1e: {  	s7 =	smul.u32 @!p0 $0xF7A, s2;
	p2 =	seq.s32 @!p0 s5, $0x0  }
0x1f: {  	s9 =	smul.u32 $0xF7A, s1;
	s8 =	simm.s32 @!p0 $0x1BF5;
	p2 =	por !p2, p0  }
0x20: {  	[sflag:s8] =	ssyncset.s32 @!p0 $0xFFFFF086;
	s6 =	sadd.s32 @!p0 s3, s7;
	s7 =	simm.s32 @!p0 $0x108  }
0x21: {  	s3 =	sadd.s32 s3, s9;
	s6 =	sadd.s32 @!p0 $0x88, s6;
	s7 =	simm.s32 @p2 $0x1082  }
0x22: {  	[simem:s7], [sflag:s8] =	dma.local @!p0 [hbm:s6], $0xF7A  }
0x23: {  	s9 =	sor.u32 $0xD0000000, s2;
	s6 =	simm.s32 $0x108;
	_ =	swait.ge @!p0 [sflag:s8], $0x0  }
0x24: {  	s3 =	sadd.s32 $0x88, s3;
	s6 =	simm.s32 @!p1 $0x1082;
	[sflag:s4] =	ssyncset.s32 $0xFFFFF086  }
0x25: {  	[simem:s6], [sflag:s4] =	dma.local [hbm:s3], $0xF7A  }
0x26: {  	[smem:$0x3F9B] =	sst s1;
	(tag) =	ssettag s2;
	_ =	strace s9  }
0x27: {  	s1 =	sld [smem:$0x3FAB]  }
0x28: {  	s2 =	sld [smem:$0x3FAC]  }
0x29: {  	s4 =	sld [smem:$0x3FAE]  }
0x2a: {  	p0 =	seq.s32 s5, $0x0;
	s5 =	sld [smem:$0x3FAF]  }
0x2b: {  	s6 =	sld [smem:$0x3FB0]  }
0x2c: {  	s7 =	sld [smem:$0x3FB1]  }
0x2d: {  	s3 =	simm.s32 $0x108;
	s8 =	sld [smem:$0x3FB2]  }
0x2e: {  	s3 =	simm.s32 @!p0 $0x1082;
	s9 =	sld [smem:$0x3FB3]  }
0x2f: {  	lr =	sadd.s32 s0, s3;
	s0 =	sld [smem:$0x3FAA]  }
0x30: {  	s3 =	sld [smem:$0x3FAD]  }
0x31: {  	[smem:$0x3FB6] =	sst s10  }
0x32: {  	s10 =	sld [smem:$0x3FB4];
	_ =	sdelay $0x3  }
0x33: {  	p0 =	seq.s32 s10, $0x1;
	s10 =	sld [smem:$0x3FB6];
	_ =	sdelay $0x3  }
0x34: {  	[smem:$0x3FB6] =	sst s10  }
0x35: {  	s10 =	sld [smem:$0x3FB5];
	_ =	sdelay $0x3  }
0x36: {  	p1 =	seq.s32 s10, $0x1;
	s10 =	sld [smem:$0x3FB6];
	_ =	sdelay $0x3  }
0x37: {  	[smem:$0x3FB6] =	sst s10  }
0x38: {  	s10 =	sld [smem:$0x3FB7]  }
0x39: {  	_ = 	snop;
	(pc) =	sbr.ind lr, $3  }
0x3a: {  	_ = 	snop  }
0x3b: {  	_ = 	snop  }
0x3c: {  	p2 =	seq.s32 s10, $0x1;
	s10 =	sld [smem:$0x3FB6]  }
0x3d: {  	_ =	shalt  }
0x3e: {  	_ =	shalt  }
0x3f: {  	_ =	shalt  }
0x40: {  	_ =	shalt  }
0x41: {  	_ =	shalt  }
0x42: {  	_ =	shalt  }
0x43: {  	_ =	shalt  }
0x44: {  	_ =	shalt  }
0x45: {  	_ =	shalt  }
0x46: {  	_ =	shalt  }
0x47: {  	_ =	shalt  }
0x48: {  	_ =	shalt  }
0x49: {  	_ =	shalt  }
0x4a: {  	_ =	shalt  }
0x4b: {  	_ =	shalt  }
0x4c: {  	_ =	shalt  }
0x4d: {  	_ =	shalt  }
0x4e: {  	_ =	shalt  }
0x4f: {  	_ =	shalt  }
0x50: {  	_ =	shalt  }
0x51: {  	_ =	shalt  }
0x52: {  	_ =	shalt  }
0x53: {  	_ =	shalt  }
0x54: {  	_ =	shalt  }
0x55: {  	_ =	shalt  }
0x56: {  	_ =	shalt  }
0x57: {  	_ =	shalt  }
0x58: {  	_ =	shalt  }
0x59: {  	_ =	shalt  }
0x5a: {  	_ =	shalt  }
0x5b: {  	_ =	shalt  }
0x5c: {  	_ =	shalt  }
0x5d: {  	_ =	shalt  }
0x5e: {  	_ =	shalt  }
0x5f: {  	_ =	shalt  }
0x60: {  	_ =	shalt  }
0x61: {  	_ =	shalt  }
0x62: {  	_ =	shalt  }
0x63: {  	_ =	shalt  }
0x64: {  	_ =	shalt  }
0x65: {  	_ =	shalt  }
0x66: {  	_ =	shalt  }
0x67: {  	_ =	shalt  }
0x68: {  	_ =	shalt  }
0x69: {  	_ =	shalt  }
0x6a: {  	_ =	shalt  }
0x6b: {  	_ =	shalt  }
0x6c: {  	_ =	shalt  }
0x6d: {  	_ =	shalt  }
0x6e: {  	_ =	shalt  }
0x6f: {  	_ =	shalt  }
0x70: {  	_ =	shalt  }
0x71: {  	_ =	shalt  }
0x72: {  	_ =	shalt  }
0x73: {  	_ =	shalt  }
0x74: {  	_ =	shalt  }
0x75: {  	_ =	shalt  }
0x76: {  	_ =	shalt  }
0x77: {  	_ =	shalt  }
0x78: {  	_ =	shalt  }
0x79: {  	_ =	shalt  }
0x7a: {  	_ =	shalt  }
0x7b: {  	_ =	shalt  }
0x7c: {  	_ =	shalt  }
0x7d: {  	_ =	shalt  }
0x7e: {  	_ =	shalt  }
0x7f: {  	_ =	shalt  }
0x80: {  	_ =	shalt  }
0x81: {  	_ =	shalt  }
0x82: {  	_ =	shalt  }
0x83: {  	_ =	shalt  }
0x84: {  	_ =	shalt  }
0x85: {  	_ =	shalt  }
0x86: {  	_ =	shalt  }
0x87: {  	_ =	shalt  }
.Lfunc_end0:
.L_simem_size_0:
called_computation.3_lowered:
.L_overlay_start_0:
0x88: {  	s2 =	sld [smem:$0x3FD9]  }
0x89: {  	s3 =	sld [smem:$0x3FFE];
	_ =	sdelay $0x1  }
0x8a: {  	s1 =	srdreg.scid  }
0x8b: {  	s0 =	sand.u32 $0x1, s1  }
0x8c: {  	s14 =	sshll.u32 s0, $0xA;
	s2 =	sadd.s32 s3, s2  }
0x8d: {  	s2 =	sadd.s32 s2, s14  }
0x8e: {  	[smem:$0x3FC2] =	sst s2  }
0x8f: {  	_ = 	snop  }
0x90: {  	s2 =	sld [smem:$0x3FD0];
	_ =	sdelay $0x2  }
0x91: {  	s15 =	simm.s32 $0xB;
	s4 =	simm.s32 $0x10  }
0x92: {  	[smem:s4], [sflag:s15] =	dma.local [hbm:s2], $0x1  }
0x93: {  	_ =	swait.eq [sflag:s15], $0x1  }
0x94: {  	[sflag:s15] =	ssyncset.done $0x0  }
0x95: {  	[sflag:s15] =	ssyncadd.s32 $0xFFFFFFFF  }
0x96: {  	s16 =	sld [smem:$0x10];
	(tm) =	ssettm $0x1  }
0x97: {  	s17 =	sld [smem:$0x3FFB];
	_ =	sdelay $0x3  }
0x98: {  	_ =	strace s17  }
0x99: {  	s3 =	sld [smem:$0x3FFC];
	_ =	sdelay $0x3  }
0x9a: {  	_ =	strace s3  }
0x9b: {  	s3 =	sld [smem:$0x3FFD];
	_ =	sdelay $0x3  }
0x9c: {  	_ =	strace s3  }
0x9d: {  	_ =	strace $0x8FFFFFFF  }
0x9e: {  	s18 =	sld [smem:$0x3FDB];
	_ =	sdelay $0x1  }
0x9f: {  	s19 =	simm.s32 $_scs_section_size  }
0xa0: {  	s5 =	simm.s32 $_size__tile_overlayer_lowered;
	s6 =	simm.s32 $_tile_overlayer_lowered  }
0xa1: {  	s22 =	simm.s32 $0x1BFF;
	s21 =	sshll.u32 s6, $0x1;
	s3 =	sadd.s32 s19, s18  }
0xa2: {  	s7 =	simm.s32 $0x0;
	s20 =	sshll.u32 s5, $0x1;
	s5 =	sadd.s32 s21, s3  }
0xa3: {  	[timem:s7], [sflag:s22] =	dma.local [hbm:s5], s20  }
0xa4: {  	_ =	swait.ge [sflag:s22], s20  }
0xa5: {  	s4 =	ssub.s32 $0x0, s20;
	[sflag:s22] =	ssyncset.done $0x0  }
0xa6: {  	[sflag:s22] =	ssyncadd.s32 s4;
	_ =	sdelay $0x1  }
0xa7: {  	s23 =	simm.s32 $0x1B8B  }
0xa8: {  	_ =	swait.ge [sflag:s23], $0x1  }
0xa9: {  	[sflag:s23] =	ssyncset.done $0x0  }
0xaa: {  	s25 =	simm.s32 $0x1B8E;
	s24 =	sld [smem:$0x3FFE];
	[sflag:s23] =	ssyncadd.s32 $0xFFFFFFFF  }
0xab: {  	s26 =	simm.s32 $execute0_lowered;
	[smem:$0x3FD2] =	sst s25  }
0xac: {  	s5 =	sshll.u32 s26, $0x1;
	_ =	strace $0x8000004F;
	[dreg:$0x1] =	wrdreg $0xFFFFFFFF  }
0xad: {  	s28 =	simm.s32 $_size_execute0_lowered;
	s3 =	sadd.s32 s3, s5;
	[dreg:$0x0] =	wrdreg $0x0  }
0xae: {  	s5 =	sshll.u32 s28, $0x1;
	[dreg:$0x2] =	wrdreg s3  }
0xaf: {  	[dreg:$0x3] =	wrdreg s5  }
0xb0: {  	[dreg:$0x4] =	wrdreg $0xC0  }
0xb1: {  	_ =	task [dreg:s7], $0x5FFFF  }
0xb2: {  	[dreg:$0x1] =	wrdreg $0xFFFFFFFF  }
0xb3: {  	[dreg:$0x0] =	wrdreg $0x60  }
0xb4: {  	[dreg:$0x2] =	wrdreg s24  }
0xb5: {  	[dreg:$0x3] =	wrdreg s16  }
0xb6: {  	[dreg:$0x4] =	wrdreg $0x9  }
0xb7: {  	_ =	task.clear_ibuf [dreg:s7], $0x5FFFF;
	_ =	strace $0x9000004F  }
0xb8: {  	s29 =	simm.s32 $0x9;
	_ =	strace $0x80000051  }
0xb9: {  	_ =	swait.ge [sflag:s29], $0x1  }
0xba: {  	[sflag:s29] =	ssyncadd.s32 $0xFFFFFFFF  }
0xbb: {  	_ =	strace $0x90000051  }
0xbc: {  	_ =	sfence  }
0xbd: {  	s30 =	sld [smem:$0x0];
	_ =	sdelay $0x2  }
0xbe: {  	s31 =	sshll.u32 s1, $0xD;
	s1 =	sshrl.u32 s1, $0x2  }
0xbf: {  	s3 =	sand.u32 $0x4000, s31;
	s1 =	sadd.s32 s1, s30  }
0xc0: {  	s0 =	sor.u32 s3, s0;
	s1 =	sshll.u32 s1, $0x11  }
0xc1: {  	s0 =	sor.u32 s1, s0  }
0xc2: {  	s0 =	sadd.s32 $0x8F2B, s0  }
0xc3: {  	[sflag:s0] =	ssyncadd.remote.s32 $0x1  }
0xc4: {  	_ =	sfence.sel $0xFFFF  }
0xc5: {  	[dreg:$0x0] =	wrdreg $0xFFFFFFFF;
	(pc) =	sbr.abs _section_cstart, $3  }
0xc6: {  	[dreg:$0x1] =	wrdreg $0xFFFFFFFF  }
0xc7: {  	_ =	task.clear_ibuf [dreg:s7], $0x2FFFF;
	_ =	strace $0x9FFFFFFF  }
0xc8: {  	(tm) =	ssettm $0x7FFFFFFF  }
0xc9: {  	_ =	shalt  }
tec
execute0_lowered:
.L_overlay_start_1:
0x0: {  	(tag) =	ssettag $0x1  }
0x1: {  	s0 =	rddreg [dreg:$0x0];
	s1 =	simm.s32 $0x0  }
0x2: {  	s30 =	srdreg.scid;
	s7 =	stileid.u32;
	s12 =	simm.s32 $0x2  }
0x3: {  	s14 =	simm.s32 $0x100;
	s11 =	simm.s32 $0x9900;
	s13 =	simm.s32 $0xB100  }
0x4: {  	s15 =	simm.s32 $0xB900;
	s16 =	simm.s32 $0xC100;
	s17 =	simm.s32 $0xC900  }
0x5: {  	s18 =	simm.s32 $0xD100;
	s19 =	simm.s32 $0xD900;
	s20 =	simm.s32 $0xE100  }
0x6: {  	s21 =	simm.s32 $0xE900;
	s22 =	simm.s32 $0xF100;
	s23 =	simm.s32 $0xF900  }
0x7: {  	s24 =	simm.s32 $0x1;
	[smem:$0x7FF] =	sst s1;
	s4 =	sadd.s32 $0x150A00, s0  }
0x8: {  	s5 =	sadd.s32 $0x150800, s0;
	s1 =	sand.u32 $0x1, s30;
	s6 =	sadd.s32 $0x150600, s0  }
0x9: {  	s7 =	sshll.u32 s7, $0x8;
	s8 =	sadd.s32 $0x150B00, s0;
	s2 =	ssub.s32 $0x2, s1  }
0xa: {  	s9 =	sadd.s32 $0x150C00, s0;
	s10 =	sadd.s32 $0x150D00, s0;
	s3 =	sshrl.u32 s2, $0x1  }
0xb: {  	v2 =	vlaneseq.u32;
	_ =	strace $0x80000050;
	s1 =	sshll.u32 s1, $0x7;
	s2 =	ssub.s32 s2, s3  }
0xc: {  	vm0 =	vmmov $0xffff;
	v1 =	vshrl.u32 v2, $0x3;
	s7 =	sor.u32 s1, s7;
	s1 =	simm.s32 $0xA100;
	s31 =	smax.u32 s2, $0x1  }
0xd: {  	v0 =	vand.u32 $0x7, v2;
	v2 =	vor.u32 $0x8, v2;
	v1 =	vmul.u32 $0x8, v1;
	s3 =	simm.s32 $0x0;
	s2 =	simm.s32 $0xA900;
	[dreg:$0x3] =	wrdreg s31  }
.LBB2_1:
0xe: {  	[dreg:$0x4] =	wrdreg s3;
	s25 =	simm.s32 $0x0  }
.LBB2_2:
0xf: {  	s26 =	sshll.u32 s25, $0x5  }
0x10: {  	s26 =	sadd.s32 s7, s26  }
0x11: {  	s29 =	sshrl.u32 s26, $0x3  }
0x12: {  	s28 =	simm.s32 $0x0;
	s30 =	sadd.s32 s5, s29  }
0x13: {  	[tilespmem:s28], [sflag:$0x2] =	stream.linear.gather [hbm4b:s30+s28], $0x20, $0x38;
	[tilespmem:$0x10100] =	vst v63  }
0x14: {  	_ =	swait.ge [sflag:s12], $0x20  }
0x15: {  	[sflag:s12] =	ssyncset.done $0x0  }
0x16: {  	s0 =	simm.s32 $0x80;
	s29 =	sadd.s32 s6, s29;
	[sflag:s12] =	ssyncadd.s32 $0xFFFFFFE0  }
0x17: {  	[tilespmem:s0], [sflag:$0x2] =	stream.linear.gather [hbm4b:s29+s28], $0x20, $0x38;
	[tilespmem:$0x10100] =	vst v63  }
0x18: {  	_ =	swait.ge [sflag:s12], $0x20  }
0x19: {  	[sflag:s12] =	ssyncset.done $0x0  }
0x1a: {  	[sflag:s12] =	ssyncadd.s32 $0xFFFFFFE0  }
0x1b: {  	v3 =	vld [tilespmem:$0x0];
	_ =	sdelay $0x4  }
0x1c: {  	v4 =	vshll.u32 v3, $0x3  }
0x1d: {  	v3 =	vand.u32 $0x7, v3;
	v4 =	vand.u32 $0xFFFFFFC0, v4  }
0x1e: {  	v3 =	vor.u32 v3, v4  }
0x1f: {  	v4 =	vperm.xlane v3, v0;
	_ =	sdelay $0x1  }
0x20: {  	v4 =	vadd.s32 v1, v4;
	_ =	sdelay $0x4  }
0x21: {  	[tilespmem:s14], [sflag:$0x1] =	stream.indirect_vreg.gather [hbm4b:s4+s28], $0x80, v4, vm0, $0xb8;
	[tilespmem:$0x10100] =	vst v63  }
0x22: {  	s3 =	simm.s32 $0x900;
	v3 =	vperm.xlane v3, v2  }
0x23: {  	[tilespmem:s3], [sflag:$0x1] =	stream.indirect_vreg.gather [hbm4b:s8+s28], $0x80, v4, vm0, $0xb8;
	[tilespmem:$0x10100] =	vst v63  }
0x24: {  	s31 =	simm.s32 $0x1100;
	v3 =	vadd.s32 v1, v3  }
0x25: {  	[tilespmem:s31], [sflag:$0x1] =	stream.indirect_vreg.gather [hbm4b:s9+s28], $0x80, v4, vm0, $0xb8;
	[tilespmem:$0x10100] =	vst v63  }
0x26: {  	s3 =	simm.s32 $0x1900  }
0x27: {  	[tilespmem:s3], [sflag:$0x1] =	stream.indirect_vreg.gather [hbm4b:s10+s28], $0x80, v4, vm0, $0xb8;
	[tilespmem:$0x10100] =	vst v63  }
0x28: {  	s31 =	simm.s32 $0x2100  }
0x29: {  	[tilespmem:s31], [sflag:$0x1] =	stream.indirect_vreg.gather [hbm4b:s4+s28], $0x80, v3, vm0, $0xb8;
	[tilespmem:$0x10100] =	vst v63  }
0x2a: {  	s3 =	simm.s32 $0x2900  }
0x2b: {  	[tilespmem:s3], [sflag:$0x1] =	stream.indirect_vreg.gather [hbm4b:s8+s28], $0x80, v3, vm0, $0xb8;
	[tilespmem:$0x10100] =	vst v63  }
0x2c: {  	s31 =	simm.s32 $0x3100  }
0x2d: {  	[tilespmem:s31], [sflag:$0x1] =	stream.indirect_vreg.gather [hbm4b:s9+s28], $0x80, v3, vm0, $0xb8;
	[tilespmem:$0x10100] =	vst v63  }
0x2e: {  	s3 =	simm.s32 $0x3900  }
0x2f: {  	[tilespmem:s3], [sflag:$0x1] =	stream.indirect_vreg.gather [hbm4b:s10+s28], $0x80, v3, vm0, $0xb8;
	[tilespmem:$0x10100] =	vst v63  }
0x30: {  	v3 =	vld [tilespmem:$0x10];
	_ =	sdelay $0x4  }
0x31: {  	v4 =	vshll.u32 v3, $0x3  }
0x32: {  	v3 =	vand.u32 $0x7, v3;
	v4 =	vand.u32 $0xFFFFFFC0, v4  }
0x33: {  	v3 =	vor.u32 v3, v4  }
0x34: {  	v4 =	vperm.xlane v3, v0;
	_ =	sdelay $0x1  }
0x35: {  	v4 =	vadd.s32 v1, v4;
	_ =	sdelay $0x3  }
0x36: {  	s31 =	simm.s32 $0x4100  }
0x37: {  	[tilespmem:s31], [sflag:$0x1] =	stream.indirect_vreg.gather [hbm4b:s4+s28], $0x80, v4, vm0, $0xb8;
	[tilespmem:$0x10100] =	vst v63  }
0x38: {  	s3 =	simm.s32 $0x4900;
	v3 =	vperm.xlane v3, v2  }
0x39: {  	[tilespmem:s3], [sflag:$0x1] =	stream.indirect_vreg.gather [hbm4b:s8+s28], $0x80, v4, vm0, $0xb8;
	[tilespmem:$0x10100] =	vst v63  }
0x3a: {  	v3 =	vadd.s32 v1, v3;
	s31 =	simm.s32 $0x5100  }
0x3b: {  	[tilespmem:s31], [sflag:$0x1] =	stream.indirect_vreg.gather [hbm4b:s9+s28], $0x80, v4, vm0, $0xb8;
	[tilespmem:$0x10100] =	vst v63  }
0x3c: {  	s3 =	simm.s32 $0x5900  }
0x3d: {  	[tilespmem:s3], [sflag:$0x1] =	stream.indirect_vreg.gather [hbm4b:s10+s28], $0x80, v4, vm0, $0xb8;
	[tilespmem:$0x10100] =	vst v63  }
0x3e: {  	s31 =	simm.s32 $0x6100  }
0x3f: {  	[tilespmem:s31], [sflag:$0x1] =	stream.indirect_vreg.gather [hbm4b:s4+s28], $0x80, v3, vm0, $0xb8;
	[tilespmem:$0x10100] =	vst v63  }
0x40: {  	s3 =	simm.s32 $0x6900  }
0x41: {  	[tilespmem:s3], [sflag:$0x1] =	stream.indirect_vreg.gather [hbm4b:s8+s28], $0x80, v3, vm0, $0xb8;
	[tilespmem:$0x10100] =	vst v63  }
0x42: {  	s31 =	simm.s32 $0x7100  }
0x43: {  	[tilespmem:s31], [sflag:$0x1] =	stream.indirect_vreg.gather [hbm4b:s9+s28], $0x80, v3, vm0, $0xb8;
	[tilespmem:$0x10100] =	vst v63  }
0x44: {  	s3 =	simm.s32 $0x7900  }
0x45: {  	[tilespmem:s3], [sflag:$0x1] =	stream.indirect_vreg.gather [hbm4b:s10+s28], $0x80, v3, vm0, $0xb8;
	[tilespmem:$0x10100] =	vst v63  }
0x46: {  	v3 =	vld [tilespmem:$0x80];
	_ =	sdelay $0x4  }
0x47: {  	v4 =	vshll.u32 v3, $0x3  }
0x48: {  	v3 =	vand.u32 $0x7, v3;
	v4 =	vand.u32 $0xFFFFFFC0, v4  }
0x49: {  	v3 =	vor.u32 v3, v4  }
0x4a: {  	v4 =	vperm.xlane v3, v0;
	_ =	sdelay $0x1  }
0x4b: {  	v4 =	vadd.s32 v1, v4;
	_ =	sdelay $0x3  }
0x4c: {  	s31 =	simm.s32 $0x8100  }
0x4d: {  	[tilespmem:s31], [sflag:$0x1] =	stream.indirect_vreg.gather [hbm4b:s4+s28], $0x80, v4, vm0, $0xb8;
	[tilespmem:$0x10100] =	vst v63  }
0x4e: {  	s3 =	simm.s32 $0x8900;
	v3 =	vperm.xlane v3, v2  }
0x4f: {  	[tilespmem:s3], [sflag:$0x1] =	stream.indirect_vreg.gather [hbm4b:s8+s28], $0x80, v4, vm0, $0xb8;
	[tilespmem:$0x10100] =	vst v63  }
0x50: {  	v3 =	vadd.s32 v1, v3;
	s31 =	simm.s32 $0x9100  }
0x51: {  	[tilespmem:s31], [sflag:$0x1] =	stream.indirect_vreg.gather [hbm4b:s9+s28], $0x80, v4, vm0, $0xb8;
	[tilespmem:$0x10100] =	vst v63  }
0x52: {  	_ = 	snop  }
0x53: {  	[tilespmem:s11], [sflag:$0x1] =	stream.indirect_vreg.gather [hbm4b:s10+s28], $0x80, v4, vm0, $0xb8;
	[tilespmem:$0x10100] =	vst v63  }
0x54: {  	_ = 	snop  }
0x55: {  	[tilespmem:s1], [sflag:$0x1] =	stream.indirect_vreg.gather [hbm4b:s4+s28], $0x80, v3, vm0, $0xb8;
	[tilespmem:$0x10100] =	vst v63  }
0x56: {  	_ = 	snop  }
0x57: {  	[tilespmem:s2], [sflag:$0x1] =	stream.indirect_vreg.gather [hbm4b:s8+s28], $0x80, v3, vm0, $0xb8;
	[tilespmem:$0x10100] =	vst v63  }
0x58: {  	_ = 	snop  }
0x59: {  	[tilespmem:s13], [sflag:$0x1] =	stream.indirect_vreg.gather [hbm4b:s9+s28], $0x80, v3, vm0, $0xb8;
	[tilespmem:$0x10100] =	vst v63  }
0x5a: {  	_ = 	snop  }
0x5b: {  	[tilespmem:s15], [sflag:$0x1] =	stream.indirect_vreg.gather [hbm4b:s10+s28], $0x80, v3, vm0, $0xb8;
	[tilespmem:$0x10100] =	vst v63  }
0x5c: {  	v3 =	vld [tilespmem:$0x90];
	_ =	sdelay $0x4  }
0x5d: {  	v4 =	vshll.u32 v3, $0x3  }
0x5e: {  	v3 =	vand.u32 $0x7, v3;
	v4 =	vand.u32 $0xFFFFFFC0, v4  }
0x5f: {  	v3 =	vor.u32 v3, v4  }
0x60: {  	v4 =	vperm.xlane v3, v0;
	_ =	sdelay $0x1  }
0x61: {  	v4 =	vadd.s32 v1, v4;
	_ =	sdelay $0x4  }
0x62: {  	[tilespmem:s16], [sflag:$0x1] =	stream.indirect_vreg.gather [hbm4b:s4+s28], $0x80, v4, vm0, $0xb8;
	[tilespmem:$0x10100] =	vst v63  }
0x63: {  	v3 =	vperm.xlane v3, v2  }
0x64: {  	[tilespmem:s17], [sflag:$0x1] =	stream.indirect_vreg.gather [hbm4b:s8+s28], $0x80, v4, vm0, $0xb8;
	[tilespmem:$0x10100] =	vst v63  }
0x65: {  	v3 =	vadd.s32 v1, v3  }
0x66: {  	[tilespmem:s18], [sflag:$0x1] =	stream.indirect_vreg.gather [hbm4b:s9+s28], $0x80, v4, vm0, $0xb8;
	[tilespmem:$0x10100] =	vst v63  }
0x67: {  	_ = 	snop  }
0x68: {  	[tilespmem:s19], [sflag:$0x1] =	stream.indirect_vreg.gather [hbm4b:s10+s28], $0x80, v4, vm0, $0xb8;
	[tilespmem:$0x10100] =	vst v63  }
0x69: {  	_ = 	snop  }
0x6a: {  	[tilespmem:s20], [sflag:$0x1] =	stream.indirect_vreg.gather [hbm4b:s4+s28], $0x80, v3, vm0, $0xb8;
	[tilespmem:$0x10100] =	vst v63  }
0x6b: {  	_ = 	snop  }
0x6c: {  	[tilespmem:s21], [sflag:$0x1] =	stream.indirect_vreg.gather [hbm4b:s8+s28], $0x80, v3, vm0, $0xb8;
	[tilespmem:$0x10100] =	vst v63  }
0x6d: {  	_ = 	snop  }
0x6e: {  	[tilespmem:s22], [sflag:$0x1] =	stream.indirect_vreg.gather [hbm4b:s9+s28], $0x80, v3, vm0, $0xb8;
	[tilespmem:$0x10100] =	vst v63  }
0x6f: {  	_ = 	snop  }
0x70: {  	[tilespmem:s23], [sflag:$0x1] =	stream.indirect_vreg.gather [hbm4b:s10+s28], $0x80, v3, vm0, $0xb8;
	[tilespmem:$0x10100] =	vst v63  }
0x71: {  	_ =	swait.ge [sflag:s24], $0x8000  }
0x72: {  	[sflag:s24] =	ssyncset.done $0x0  }
0x73: {  	s30 =	sand.u32 $0x1800, s28;
	s29 =	simm.s32 $0x0;
	[sflag:s24] =	ssyncadd.s32 $0xFFFF8000  }
0x74: {  	s29 =	sand.u32 $0x6000, s29;
	s31 =	simm.s32 $0x0;
	_ =	swait.ge [sflag:s24], $0x8000  }
0x75: {  	s29 =	sor.u32 s30, s29;
	s30 =	sand.u32 $0x380, s31;
	[sflag:s24] =	ssyncset.done $0x0  }
0x76: {  	s29 =	sor.u32 s30, s29;
	[sflag:s24] =	ssyncadd.s32 $0xFFFF8000  }
0x77: {  	v12 =	vld [tilespmem:s29+$0x8100]  }
0x78: {  	v13 =	vld [tilespmem:s29+$0x8110]  }
0x79: {  	v14 =	vld [tilespmem:s29+$0x8120]  }
0x7a: {  	v15 =	vld [tilespmem:s29+$0x8130]  }
0x7b: {  	v17 =	vld [tilespmem:s29+$0x8140]  }
0x7c: {  	v18 =	vld [tilespmem:s29+$0x8150]  }
0x7d: {  	v19 =	vld [tilespmem:s29+$0x8160]  }
0x7e: {  	v11 =	vld [tilespmem:s29+$0x8170]  }
0x7f: {  	v10 =	vld [tilespmem:s29+$0x8500]  }
0x80: {  	v9 =	vld [tilespmem:s29+$0x8510]  }
0x81: {  	v8 =	vld [tilespmem:s29+$0x8520]  }
0x82: {  	v7 =	vld [tilespmem:s29+$0x8530]  }
0x83: {  	v6 =	vld [tilespmem:s29+$0x8540]  }
0x84: {  	v5 =	vld [tilespmem:s29+$0x8550]  }
0x85: {  	v4 =	vld [tilespmem:s29+$0x8560]  }
0x86: {  	v16 =	vld [tilespmem:s29+$0x100]  }
0x87: {  	v20 =	vld [tilespmem:s29+$0x110]  }
0x88: {  	v21 =	vld [tilespmem:s29+$0x120]  }
0x89: {  	v23 =	vld [tilespmem:s29+$0x140]  }
0x8a: {  	v22 =	vld [tilespmem:s29+$0x130]  }
0x8b: {  	v3 =	vld [tilespmem:s29+$0x8570]  }
0x8c: {  	v24 =	vld [tilespmem:s29+$0x150];
	v12 =	vadd.f32 v12, v16  }
0x8d: {  	v13 =	vadd.f32 v13, v20;
	v20 =	vld [tilespmem:s29+$0x160]  }
0x8e: {  	v16 =	vld [tilespmem:s29+$0x170];
	v17 =	vadd.f32 v17, v23;
	[tilespmem:s29+$0x100] =	vst v12  }
0x8f: {  	v12 =	vadd.f32 v14, v21;
	[tilespmem:s29+$0x110] =	vst v13;
	v13 =	vadd.f32 v15, v22;
	v15 =	vld [tilespmem:s29+$0x500]  }
0x90: {  	v14 =	vld [tilespmem:s29+$0x510];
	[tilespmem:s29+$0x140] =	vst v17  }
0x91: {  	v18 =	vadd.f32 v18, v24;
	[tilespmem:s29+$0x120] =	vst v12;
	v12 =	vld [tilespmem:s29+$0x520]  }
0x92: {  	s30 =	simm.s32 $0x1;
	[tilespmem:s29+$0x130] =	vst v13;
	v13 =	vld [tilespmem:s29+$0x530];
	v17 =	vadd.f32 v19, v20  }
.LBB2_3:
0x93: {  	s31 =	sshll.u32 s30, $0x8;
	p0 =	sne.s32 s30, $0x7F;
	[tilespmem:s29+$0x150] =	vst v18;
	v11 =	vadd.f32 v11, v16;
	v16 =	vld [tilespmem:s29+$0x540];
	s28 =	sadd.s32 $0x800, s28  }
0x94: {  	s3 =	sshll.u32 s30, $0x5;
	s0 =	sand.u32 $0x1800, s28;
	s31 =	sand.u32 $0x6000, s31;
	[tilespmem:s29+$0x160] =	vst v17;
	v10 =	vadd.f32 v10, v15;
	v15 =	vld [tilespmem:s29+$0x550]  }
0x95: {  	s3 =	sand.u32 $0x380, s3;
	s0 =	sor.u32 s0, s31;
	[tilespmem:s29+$0x170] =	vst v11;
	v9 =	vadd.f32 v9, v14;
	v11 =	vld [tilespmem:s29+$0x560]  }
0x96: {  	s0 =	sor.u32 s3, s0;
	[tilespmem:s29+$0x500] =	vst v10;
	v8 =	vadd.f32 v8, v12;
	v10 =	vld [tilespmem:s29+$0x570]  }
0x97: {  	v12 =	vld [tilespmem:s0+$0x8100];
	[tilespmem:s29+$0x510] =	vst v9;
	v7 =	vadd.f32 v7, v13  }
0x98: {  	v13 =	vld [tilespmem:s0+$0x8110];
	[tilespmem:s29+$0x520] =	vst v8;
	v6 =	vadd.f32 v6, v16  }
0x99: {  	v14 =	vld [tilespmem:s0+$0x8120];
	[tilespmem:s29+$0x530] =	vst v7;
	v5 =	vadd.f32 v5, v15  }
0x9a: {  	v15 =	vld [tilespmem:s0+$0x8130];
	[tilespmem:s29+$0x540] =	vst v6;
	v4 =	vadd.f32 v4, v11  }
0x9b: {  	v17 =	vld [tilespmem:s0+$0x8140];
	[tilespmem:s29+$0x550] =	vst v5;
	v3 =	vadd.f32 v3, v10  }
0x9c: {  	v18 =	vld [tilespmem:s0+$0x8150];
	[tilespmem:s29+$0x560] =	vst v4  }
0x9d: {  	v19 =	vld [tilespmem:s0+$0x8160];
	[tilespmem:s29+$0x570] =	vst v3;
	s29 =	smov.u32 s0  }
0x9e: {  	v11 =	vld [tilespmem:s29+$0x8170]  }
0x9f: {  	v10 =	vld [tilespmem:s29+$0x8500]  }
0xa0: {  	v9 =	vld [tilespmem:s29+$0x8510]  }
0xa1: {  	v8 =	vld [tilespmem:s29+$0x8520]  }
0xa2: {  	v7 =	vld [tilespmem:s29+$0x8530]  }
0xa3: {  	v6 =	vld [tilespmem:s29+$0x8540]  }
0xa4: {  	v5 =	vld [tilespmem:s29+$0x8550]  }
0xa5: {  	v4 =	vld [tilespmem:s29+$0x8560]  }
0xa6: {  	v3 =	vld [tilespmem:s29+$0x8570]  }
0xa7: {  	v16 =	vld [tilespmem:s29+$0x100]  }
0xa8: {  	v20 =	vld [tilespmem:s29+$0x110]  }
0xa9: {  	v21 =	vld [tilespmem:s29+$0x120]  }
0xaa: {  	v22 =	vld [tilespmem:s29+$0x130]  }
0xab: {  	v23 =	vld [tilespmem:s29+$0x140]  }
0xac: {  	v12 =	vadd.f32 v12, v16;
	v24 =	vld [tilespmem:s29+$0x150]  }
0xad: {  	v13 =	vadd.f32 v13, v20;
	v20 =	vld [tilespmem:s29+$0x160]  }
.Ltmp0:
0xae: {  	[tilespmem:s29+$0x100] =	vst v12;
	v12 =	vadd.f32 v14, v21;
	v16 =	vld [tilespmem:s29+$0x170];
	(pc) =	sbr.rel @p0 .LBB2_3-.Ltmp0, $4  }
0xaf: {  	[tilespmem:s29+$0x110] =	vst v13;
	v13 =	vadd.f32 v15, v22;
	v15 =	vld [tilespmem:s29+$0x500]  }
0xb0: {  	[tilespmem:s29+$0x120] =	vst v12;
	v17 =	vadd.f32 v17, v23;
	v14 =	vld [tilespmem:s29+$0x510]  }
0xb1: {  	[tilespmem:s29+$0x130] =	vst v13;
	v18 =	vadd.f32 v18, v24;
	v12 =	vld [tilespmem:s29+$0x520]  }
0xb2: {  	s30 =	sadd.s32 $0x1, s30;
	[tilespmem:s29+$0x140] =	vst v17;
	v17 =	vadd.f32 v19, v20;
	v13 =	vld [tilespmem:s29+$0x530]  }
0xb3: {  	[tilespmem:s29+$0x150] =	vst v18;
	v11 =	vadd.f32 v11, v16;
	v60 =	vld [tilespmem:s29+$0x540]  }
0xb4: {  	v61 =	vld [tilespmem:s29+$0x550];
	[tilespmem:s29+$0x160] =	vst v17;
	v10 =	vadd.f32 v10, v15  }
0xb5: {  	v62 =	vld [tilespmem:s29+$0x560];
	[tilespmem:s29+$0x170] =	vst v11;
	v9 =	vadd.f32 v9, v14  }
0xb6: {  	v63 =	vld [tilespmem:s29+$0x570];
	[tilespmem:s29+$0x500] =	vst v10;
	v8 =	vadd.f32 v8, v12  }
0xb7: {  	[tilespmem:s29+$0x510] =	vst v9;
	v7 =	vadd.f32 v7, v13  }
0xb8: {  	[tilespmem:s29+$0x520] =	vst v8;
	v6 =	vadd.f32 v6, v60  }
0xb9: {  	v5 =	vadd.f32 v5, v61;
	[tilespmem:s29+$0x530] =	vst v7  }
0xba: {  	v4 =	vadd.f32 v4, v62;
	[tilespmem:s29+$0x540] =	vst v6  }
0xbb: {  	s25 =	sadd.s32 $0x1, s25;
	v3 =	vadd.f32 v3, v63;
	[tilespmem:s29+$0x550] =	vst v5  }
0xbc: {  	s0 =	sshll.u32 s26, $0x7;
	s3 =	rddreg [dreg:$0x1];
	p0 =	sne.s32 s25, $0x4;
	[tilespmem:s29+$0x560] =	vst v4  }
.Ltmp1:
0xbd: {  	s31 =	simm.s32 $0x0;
	s0 =	sadd.s32 s3, s0;
	[tilespmem:s29+$0x570] =	vst v3;
	(pc) =	sbr.rel @p0 .LBB2_2-.Ltmp1, $4  }
0xbe: {  	[hbm4b:s0+s31] =	stream.linear.scatter [tilespmem:s14], [sflag:$0x2], $0x8000, $0x38;
	[tilespmem:$0x10100] =	vst v63  }
0xbf: {  	_ =	swait.ge [sflag:s12], $0x8000  }
0xc0: {  	[sflag:s12] =	ssyncset.done $0x0  }
0xc1: {  	[sflag:s12] =	ssyncadd.s32 $0xFFFF8000  }
0xc2: {  	s3 =	rddreg [dreg:$0x4]  }
0xc3: {  	s0 =	rddreg [dreg:$0x3];
	s3 =	sadd.s32 $0x1, s3  }
0xc4: {  	p0 =	sne.s32 s3, s0  }
.Ltmp2:
0xc5: {  	_ = 	snop;
	(pc) =	sbr.rel @p0 .LBB2_1-.Ltmp2, $1  }
0xc6: {  	_ =	sdelay $0x3  }
0xc7: {  	_ =	sfence.sel $0x180000  }
0xc8: {  	[bflag:$0x0] =	sbarrier.arrive $0xFFFF  }
0xc9: {  	_ =	strace $0x90000050  }
0xca: {  	s0 =	stileid.u32;
	[bflag:$0x2] =	sbarrier.arrive $0xFFFF  }
0xcb: {  	p0 =	sne.s32 s0, $0x0;
	s0 =	rddreg [dreg:$0x2]  }
0xcc: {  	s0 =	sadd.s32 @!p0 $0x100000, s0  }
0xcd: {  	[sflag:s0] =	ssyncadd.tile.s32 @!p0 $0x1;
	_ =	shalt  }
.Lfunc_end2:
_tile_overlayer_lowered:
.L_overlay_start_2:
0xce: {  	(tag) =	ssettag $0x2  }
0xcf: {  	s0 =	rddreg [dreg:$0x0];
	s2 =	stileid.u32  }
0xd0: {  	s1 =	rddreg [dreg:$0x1];
	p0 =	sne.s32 s2, $0x0  }
0xd1: {  	s3 =	rddreg [dreg:$0x2];
	[bflag:$0x3] =	sbarrier.arrive $0xFFFF;
	s2 =	simm.s32 @!p0 $0x1C02  }
0xd2: {  	[timem:s3], [sflag:s2] =	dma.local @!p0 [hbm:s0], s1  }
0xd3: {  	s0 =	simm.s32 @!p0 $0x2  }
0xd4: {  	_ =	swait.ge @!p0 [sflag:s0], s1  }
0xd5: {  	s1 =	ssub.s32 @!p0 $0x0, s1;
	[sflag:s0] =	ssyncset.done @!p0 $0x0  }
0xd6: {  	[sflag:s0] =	ssyncadd.s32 @!p0 s1  }
0xd7: {  	[bflag:$0x3] =	sbarrier.arrive $0xFFFF  }
0xd8: {  	_ =	shalt  }

// kernel: kernel.8.cloned.1.call-start
scs
__scs_entry_jumppad:
0x0: {  	(pc) =	sbr.rel $0x88, $3  }
0x1: {  	(tag) =	ssettag $0x0;
	lr =	simm.s32 $0x1  }
0x2: {  	[smem:$0x3F9B] =	sst lr;
	_ =	strace $0xD0000000  }
0x3: {  	_ = 	snop  }
0x4: {  	_ = 	snop  }
0x5: {  	_ = 	snop  }
0x6: {  	_ = 	snop  }
0x7: {  	_ = 	snop  }
__scs_overlays_trampoline_lowered:
0x8: {  	[smem:$0x3FAA] =	sst s0  }
0x9: {  	[smem:$0x3FAB] =	sst s1  }
0xa: {  	[smem:$0x3FAC] =	sst s2  }
0xb: {  	[smem:$0x3FAD] =	sst s3  }
0xc: {  	[smem:$0x3FAE] =	sst s4  }
0xd: {  	[smem:$0x3FAF] =	sst s5  }
0xe: {  	[smem:$0x3FB0] =	sst s6  }
0xf: {  	[smem:$0x3FB1] =	sst s7  }
0x10: {  	[smem:$0x3FB2] =	sst s8  }
0x11: {  	[smem:$0x3FB3] =	sst s9;
	s0 =	simm.s32 @!p0 $0x0  }
0x12: {  	s1 =	sld [smem:$0x3F99];
	s0 =	simm.s32 @p0 $0x1  }
0x13: {  	[smem:$0x3FB4] =	sst s0;
	s0 =	simm.s32 @!p1 $0x0  }
0x14: {  	s2 =	sld [smem:$0x3F98];
	s0 =	simm.s32 @p1 $0x1  }
0x15: {  	[smem:$0x3FB5] =	sst s0;
	s0 =	simm.s32 @!p2 $0x0  }
0x16: {  	s3 =	sld [smem:$0x3FDB];
	s0 =	simm.s32 @p2 $0x1  }
0x17: {  	s4 =	simm.s32 $0x1BF5;
	[smem:$0x3FB7] =	sst s0  }
0x18: {  	s0 =	sld [smem:$0x3F9A];
	_ =	swait.ge [sflag:s4], $0x0  }
0x19: {  	s7 =	sld [smem:$0x3F9B]  }
0x1a: {  	s8 =	sadd.s32 $0xFFFFE003, lr  }
0x1b: {  	s9 =	sadd.s32 $0xFFFFFEF7, lr;
	s5 =	simm.s32 $0xFFFFFFFF;
	p2 =	slt.u32 s8, $0xFFFFF086  }
0x1c: {  	p1 =	slt.u32 s9, $0xF7A;
	s5 =	simm.s32 @!p2 $0x0  }
0x1d: {  	s5 =	simm.s32 @p1 $0x1;
	p0 =	seq.s32 s7, s2  }
0x1e: {  	s7 =	smul.u32 @!p0 $0xF7A, s2;
	p2 =	seq.s32 @!p0 s5, $0x0  }
0x1f: {  	s9 =	smul.u32 $0xF7A, s1;
	s8 =	simm.s32 @!p0 $0x1BF5;
	p2 =	por !p2, p0  }
0x20: {  	[sflag:s8] =	ssyncset.s32 @!p0 $0xFFFFF086;
	s6 =	sadd.s32 @!p0 s3, s7;
	s7 =	simm.s32 @!p0 $0x108  }
0x21: {  	s3 =	sadd.s32 s3, s9;
	s6 =	sadd.s32 @!p0 $0x88, s6;
	s7 =	simm.s32 @p2 $0x1082  }
0x22: {  	[simem:s7], [sflag:s8] =	dma.local @!p0 [hbm:s6], $0xF7A  }
0x23: {  	s9 =	sor.u32 $0xD0000000, s2;
	s6 =	simm.s32 $0x108;
	_ =	swait.ge @!p0 [sflag:s8], $0x0  }
0x24: {  	s3 =	sadd.s32 $0x88, s3;
	s6 =	simm.s32 @!p1 $0x1082;
	[sflag:s4] =	ssyncset.s32 $0xFFFFF086  }
0x25: {  	[simem:s6], [sflag:s4] =	dma.local [hbm:s3], $0xF7A  }
0x26: {  	[smem:$0x3F9B] =	sst s1;
	(tag) =	ssettag s2;
	_ =	strace s9  }
0x27: {  	s1 =	sld [smem:$0x3FAB]  }
0x28: {  	s2 =	sld [smem:$0x3FAC]  }
0x29: {  	s4 =	sld [smem:$0x3FAE]  }
0x2a: {  	p0 =	seq.s32 s5, $0x0;
	s5 =	sld [smem:$0x3FAF]  }
0x2b: {  	s6 =	sld [smem:$0x3FB0]  }
0x2c: {  	s7 =	sld [smem:$0x3FB1]  }
0x2d: {  	s3 =	simm.s32 $0x108;
	s8 =	sld [smem:$0x3FB2]  }
0x2e: {  	s3 =	simm.s32 @!p0 $0x1082;
	s9 =	sld [smem:$0x3FB3]  }
0x2f: {  	lr =	sadd.s32 s0, s3;
	s0 =	sld [smem:$0x3FAA]  }
0x30: {  	s3 =	sld [smem:$0x3FAD]  }
0x31: {  	[smem:$0x3FB6] =	sst s10  }
0x32: {  	s10 =	sld [smem:$0x3FB4];
	_ =	sdelay $0x3  }
0x33: {  	p0 =	seq.s32 s10, $0x1;
	s10 =	sld [smem:$0x3FB6];
	_ =	sdelay $0x3  }
0x34: {  	[smem:$0x3FB6] =	sst s10  }
0x35: {  	s10 =	sld [smem:$0x3FB5];
	_ =	sdelay $0x3  }
0x36: {  	p1 =	seq.s32 s10, $0x1;
	s10 =	sld [smem:$0x3FB6];
	_ =	sdelay $0x3  }
0x37: {  	[smem:$0x3FB6] =	sst s10  }
0x38: {  	s10 =	sld [smem:$0x3FB7]  }
0x39: {  	_ = 	snop;
	(pc) =	sbr.ind lr, $3  }
0x3a: {  	_ = 	snop  }
0x3b: {  	_ = 	snop  }
0x3c: {  	p2 =	seq.s32 s10, $0x1;
	s10 =	sld [smem:$0x3FB6]  }
0x3d: {  	_ =	shalt  }
0x3e: {  	_ =	shalt  }
0x3f: {  	_ =	shalt  }
0x40: {  	_ =	shalt  }
0x41: {  	_ =	shalt  }
0x42: {  	_ =	shalt  }
0x43: {  	_ =	shalt  }
0x44: {  	_ =	shalt  }
0x45: {  	_ =	shalt  }
0x46: {  	_ =	shalt  }
0x47: {  	_ =	shalt  }
0x48: {  	_ =	shalt  }
0x49: {  	_ =	shalt  }
0x4a: {  	_ =	shalt  }
0x4b: {  	_ =	shalt  }
0x4c: {  	_ =	shalt  }
0x4d: {  	_ =	shalt  }
0x4e: {  	_ =	shalt  }
0x4f: {  	_ =	shalt  }
0x50: {  	_ =	shalt  }
0x51: {  	_ =	shalt  }
0x52: {  	_ =	shalt  }
0x53: {  	_ =	shalt  }
0x54: {  	_ =	shalt  }
0x55: {  	_ =	shalt  }
0x56: {  	_ =	shalt  }
0x57: {  	_ =	shalt  }
0x58: {  	_ =	shalt  }
0x59: {  	_ =	shalt  }
0x5a: {  	_ =	shalt  }
0x5b: {  	_ =	shalt  }
0x5c: {  	_ =	shalt  }
0x5d: {  	_ =	shalt  }
0x5e: {  	_ =	shalt  }
0x5f: {  	_ =	shalt  }
0x60: {  	_ =	shalt  }
0x61: {  	_ =	shalt  }
0x62: {  	_ =	shalt  }
0x63: {  	_ =	shalt  }
0x64: {  	_ =	shalt  }
0x65: {  	_ =	shalt  }
0x66: {  	_ =	shalt  }
0x67: {  	_ =	shalt  }
0x68: {  	_ =	shalt  }
0x69: {  	_ =	shalt  }
0x6a: {  	_ =	shalt  }
0x6b: {  	_ =	shalt  }
0x6c: {  	_ =	shalt  }
0x6d: {  	_ =	shalt  }
0x6e: {  	_ =	shalt  }
0x6f: {  	_ =	shalt  }
0x70: {  	_ =	shalt  }
0x71: {  	_ =	shalt  }
0x72: {  	_ =	shalt  }
0x73: {  	_ =	shalt  }
0x74: {  	_ =	shalt  }
0x75: {  	_ =	shalt  }
0x76: {  	_ =	shalt  }
0x77: {  	_ =	shalt  }
0x78: {  	_ =	shalt  }
0x79: {  	_ =	shalt  }
0x7a: {  	_ =	shalt  }
0x7b: {  	_ =	shalt  }
0x7c: {  	_ =	shalt  }
0x7d: {  	_ =	shalt  }
0x7e: {  	_ =	shalt  }
0x7f: {  	_ =	shalt  }
0x80: {  	_ =	shalt  }
0x81: {  	_ =	shalt  }
0x82: {  	_ =	shalt  }
0x83: {  	_ =	shalt  }
0x84: {  	_ =	shalt  }
0x85: {  	_ =	shalt  }
0x86: {  	_ =	shalt  }
0x87: {  	_ =	shalt  }
.Lfunc_end0:
.L_simem_size_0:
called_computation.1_lowered:
.L_overlay_start_0:
0x88: {  	s2 =	sld [smem:$0x3FD9]  }
0x89: {  	s3 =	sld [smem:$0x3FFE];
	_ =	sdelay $0x1  }
0x8a: {  	s1 =	srdreg.scid  }
0x8b: {  	s0 =	sand.u32 $0x1, s1  }
0x8c: {  	s14 =	sshll.u32 s0, $0xA;
	s2 =	sadd.s32 s3, s2  }
0x8d: {  	s2 =	sadd.s32 s2, s14  }
0x8e: {  	[smem:$0x3FC2] =	sst s2  }
0x8f: {  	_ = 	snop  }
0x90: {  	s2 =	sld [smem:$0x3FD0];
	_ =	sdelay $0x2  }
0x91: {  	s4 =	simm.s32 $0xB;
	s5 =	simm.s32 $0x10;
	s15 =	sld [smem:$0x3FC9]  }
0x92: {  	[smem:s5], [sflag:s4] =	dma.local [hbm:s2], $0x1  }
0x93: {  	_ =	swait.eq [sflag:s4], $0x1  }
0x94: {  	[sflag:s4] =	ssyncset.done $0x0  }
0x95: {  	[sflag:s4] =	ssyncadd.s32 $0xFFFFFFFF  }
0x96: {  	s16 =	sld [smem:$0x11];
	(tm) =	ssettm $0x1  }
0x97: {  	s17 =	sld [smem:$0x3FFB];
	_ =	sdelay $0x3  }
0x98: {  	_ =	strace s17  }
0x99: {  	s4 =	sld [smem:$0x3FFC];
	_ =	sdelay $0x3  }
0x9a: {  	_ =	strace s4  }
0x9b: {  	s4 =	sld [smem:$0x3FFD];
	_ =	sdelay $0x3  }
0x9c: {  	_ =	strace s4  }
0x9d: {  	_ =	strace $0x8FFFFFFF  }
0x9e: {  	s18 =	sld [smem:$0x3FDB];
	_ =	sdelay $0x1  }
0x9f: {  	s19 =	simm.s32 $_scs_section_size  }
0xa0: {  	s6 =	simm.s32 $_size__tile_overlayer_lowered;
	s7 =	simm.s32 $_tile_overlayer_lowered  }
0xa1: {  	s22 =	simm.s32 $0x1BFF;
	s21 =	sshll.u32 s7, $0x1;
	s4 =	sadd.s32 s19, s18  }
0xa2: {  	s8 =	simm.s32 $0x0;
	s20 =	sshll.u32 s6, $0x1;
	s6 =	sadd.s32 s21, s4  }
0xa3: {  	[timem:s8], [sflag:s22] =	dma.local [hbm:s6], s20  }
0xa4: {  	_ =	swait.ge [sflag:s22], s20  }
0xa5: {  	s5 =	ssub.s32 $0x0, s20;
	[sflag:s22] =	ssyncset.done $0x0  }
0xa6: {  	[sflag:s22] =	ssyncadd.s32 s5;
	_ =	sdelay $0x1  }
0xa7: {  	s23 =	simm.s32 $0x1B8B  }
0xa8: {  	_ =	swait.ge [sflag:s23], $0x1  }
0xa9: {  	[sflag:s23] =	ssyncset.done $0x0  }
0xaa: {  	s25 =	simm.s32 $0x1B8E;
	s24 =	sld [smem:$0x3FFE];
	[sflag:s23] =	ssyncadd.s32 $0xFFFFFFFF  }
0xab: {  	s26 =	simm.s32 $execute0_lowered;
	[smem:$0x3FD2] =	sst s25  }
0xac: {  	s6 =	sshll.u32 s26, $0x1;
	_ =	strace $0x80000049;
	[dreg:$0x1] =	wrdreg $0xFFFFFFFF  }
0xad: {  	s28 =	simm.s32 $_size_execute0_lowered;
	s4 =	sadd.s32 s4, s6;
	[dreg:$0x0] =	wrdreg $0x0  }
0xae: {  	s6 =	sshll.u32 s28, $0x1;
	[dreg:$0x2] =	wrdreg s4  }
0xaf: {  	[dreg:$0x3] =	wrdreg s6  }
0xb0: {  	[dreg:$0x4] =	wrdreg $0xC0  }
0xb1: {  	_ =	task [dreg:s8], $0x5FFFF  }
0xb2: {  	[dreg:$0x1] =	wrdreg $0xFFFFFFFF  }
0xb3: {  	[dreg:$0x0] =	wrdreg $0x60  }
0xb4: {  	[dreg:$0x2] =	wrdreg s15  }
0xb5: {  	[dreg:$0x3] =	wrdreg s16  }
0xb6: {  	[dreg:$0x4] =	wrdreg s24  }
0xb7: {  	[dreg:$0x5] =	wrdreg $0x9  }
0xb8: {  	_ =	task.clear_ibuf [dreg:s8], $0x6FFFF;
	_ =	strace $0x90000049  }
0xb9: {  	s29 =	simm.s32 $0x9;
	_ =	strace $0x8000004B  }
0xba: {  	_ =	swait.ge [sflag:s29], $0x1  }
0xbb: {  	[sflag:s29] =	ssyncadd.s32 $0xFFFFFFFF  }
0xbc: {  	_ =	strace $0x9000004B  }
0xbd: {  	_ =	sfence  }
0xbe: {  	s30 =	sld [smem:$0x0];
	_ =	sdelay $0x2  }
0xbf: {  	s31 =	sshll.u32 s1, $0xD;
	s1 =	sshrl.u32 s1, $0x2  }
0xc0: {  	s3 =	sand.u32 $0x4000, s31;
	s1 =	sadd.s32 s1, s30  }
0xc1: {  	s0 =	sor.u32 s3, s0;
	s1 =	sshll.u32 s1, $0x11  }
0xc2: {  	s0 =	sor.u32 s1, s0  }
0xc3: {  	s0 =	sadd.s32 $0x8F2B, s0  }
0xc4: {  	[sflag:s0] =	ssyncadd.remote.s32 $0x1  }
0xc5: {  	_ =	sfence.sel $0xFFFF  }
0xc6: {  	[dreg:$0x0] =	wrdreg $0xFFFFFFFF;
	(pc) =	sbr.abs _section_cstart, $3  }
0xc7: {  	[dreg:$0x1] =	wrdreg $0xFFFFFFFF  }
0xc8: {  	_ =	task.clear_ibuf [dreg:s8], $0x2FFFF;
	_ =	strace $0x9FFFFFFF  }
0xc9: {  	(tm) =	ssettm $0x7FFFFFFF  }
tec
execute0_lowered:
.L_overlay_start_1:
0x0: {  	(tag) =	ssettag $0x1  }
0x1: {  	s1 =	rddreg [dreg:$0x0];
	s0 =	srdreg.scid  }
0x2: {  	s3 =	stileid.u32;
	s2 =	rddreg [dreg:$0x1]  }
0x3: {  	s5 =	rddreg [dreg:$0x2];
	s11 =	simm.s32 $0x3;
	s12 =	simm.s32 $0x100  }
0x4: {  	s10 =	simm.s32 $0x900;
	s31 =	simm.s32 $0x1;
	s13 =	simm.s32 $0x0  }
0x5: {  	s17 =	simm.s32 $0xC100;
	s18 =	simm.s32 $0xC900;
	s19 =	simm.s32 $0xD100  }
0x6: {  	s20 =	simm.s32 $0xD900;
	s21 =	simm.s32 $0xE100;
	s22 =	simm.s32 $0xE900  }
0x7: {  	s23 =	simm.s32 $0xF100;
	s24 =	simm.s32 $0xF900;
	s25 =	simm.s32 $0x10100  }
0x8: {  	s26 =	simm.s32 $0x10900;
	s28 =	simm.s32 $0x11100;
	s29 =	simm.s32 $0x11900  }
0x9: {  	s30 =	simm.s32 $0x12100;
	s14 =	simm.s32 $0x13100;
	s15 =	simm.s32 $0x13900  }
0xa: {  	s0 =	sand.u32 $0x1, s0;
	s3 =	sshll.u32 s3, $0x1;
	s5 =	sadd.s32 $0x10400, s5  }
0xb: {  	s8 =	sadd.s32 $0x200, s1;
	s4 =	sor.u32 s0, s3;
	s0 =	ssub.s32 $0x2, s0  }
0xc: {  	s3 =	simm.s32 $0x0;
	s4 =	smul.u32 $0xA0, s4;
	s6 =	sshrl.u32 s0, $0x1  }
0xd: {  	s9 =	sadd.s32 $0x300, s1;
	[smem:$0x7FF] =	sst s3;
	s0 =	ssub.s32 s0, s6  }
0xe: {  	v2 =	vlaneseq.u32;
	_ =	strace $0x8000004A;
	s7 =	sshrl.u32 s4, $0x3;
	s0 =	smax.u32 s0, $0x1  }
0xf: {  	vm0 =	vmmov $0xffff;
	v1 =	vshrl.u32 v2, $0x3;
	s2 =	sadd.s32 s2, s7;
	s7 =	sadd.s32 $0x100, s1;
	[dreg:$0x5] =	wrdreg s0  }
0x10: {  	v0 =	vand.u32 $0x7, v2;
	v2 =	vor.u32 $0x8, v2;
	v1 =	vmul.u32 $0x8, v1;
	s0 =	simm.s32 $0xA100;
	[dreg:$0x4] =	wrdreg s2;
	s2 =	simm.s32 $0x2  }
.LBB2_1:
0x11: {  	[dreg:$0x6] =	wrdreg s13  }
0x12: {  	s6 =	rddreg [dreg:$0x4]  }
0x13: {  	[tilespmem:s3], [sflag:$0x3] =	stream.linear.gather [hbm4b:s6+s3], $0xA0, $0x38;
	[tilespmem:$0x14100] =	vst v63  }
0x14: {  	_ =	swait.ge [sflag:s11], $0xA0  }
0x15: {  	p0 =	por $0x1, $0x1;
	[sflag:s11] =	ssyncset.done $0x0  }
0x16: {  	s13 =	simm.s32 $0x12900;
	s6 =	simm.s32 $0x0;
	[sflag:s11] =	ssyncadd.s32 $0xFFFFFF60  }
.LBB2_2:
0x17: {  	v3 =	vld [tilespmem:s6+$0x0];
	_ =	sdelay $0x4  }
0x18: {  	v4 =	vshll.u32 v3, $0x3  }
0x19: {  	v3 =	vand.u32 $0x7, v3;
	v4 =	vand.u32 $0xFFFFFFC0, v4  }
0x1a: {  	v3 =	vor.u32 v3, v4  }
0x1b: {  	v4 =	vperm.xlane v3, v0;
	_ =	sdelay $0x1  }
0x1c: {  	v4 =	vadd.s32 v1, v4;
	_ =	sdelay $0x4  }
0x1d: {  	[tilespmem:s12], [sflag:$0x1] =	stream.indirect_vreg.gather [hbm4b:s1+s3], $0x80, v4, vm0, $0xb8;
	[tilespmem:$0x14100] =	vst v63  }
0x1e: {  	v3 =	vperm.xlane v3, v2  }
0x1f: {  	[tilespmem:s10], [sflag:$0x1] =	stream.indirect_vreg.gather [hbm4b:s7+s3], $0x80, v4, vm0, $0xb8;
	[tilespmem:$0x14100] =	vst v63  }
0x20: {  	s16 =	simm.s32 $0x1100;
	v3 =	vadd.s32 v1, v3  }
0x21: {  	[tilespmem:s16], [sflag:$0x1] =	stream.indirect_vreg.gather [hbm4b:s8+s3], $0x80, v4, vm0, $0xb8;
	[tilespmem:$0x14100] =	vst v63  }
0x22: {  	s16 =	simm.s32 $0x1900  }
0x23: {  	[tilespmem:s16], [sflag:$0x1] =	stream.indirect_vreg.gather [hbm4b:s9+s3], $0x80, v4, vm0, $0xb8;
	[tilespmem:$0x14100] =	vst v63  }
0x24: {  	s16 =	simm.s32 $0x2100  }
0x25: {  	[tilespmem:s16], [sflag:$0x1] =	stream.indirect_vreg.gather [hbm4b:s1+s3], $0x80, v3, vm0, $0xb8;
	[tilespmem:$0x14100] =	vst v63  }
0x26: {  	s16 =	simm.s32 $0x2900  }
0x27: {  	[tilespmem:s16], [sflag:$0x1] =	stream.indirect_vreg.gather [hbm4b:s7+s3], $0x80, v3, vm0, $0xb8;
	[tilespmem:$0x14100] =	vst v63  }
0x28: {  	s16 =	simm.s32 $0x3100  }
0x29: {  	[tilespmem:s16], [sflag:$0x1] =	stream.indirect_vreg.gather [hbm4b:s8+s3], $0x80, v3, vm0, $0xb8;
	[tilespmem:$0x14100] =	vst v63  }
0x2a: {  	s16 =	simm.s32 $0x3900  }
0x2b: {  	[tilespmem:s16], [sflag:$0x1] =	stream.indirect_vreg.gather [hbm4b:s9+s3], $0x80, v3, vm0, $0xb8;
	[tilespmem:$0x14100] =	vst v63  }
0x2c: {  	v3 =	vld [tilespmem:s6+$0x10];
	_ =	sdelay $0x4  }
0x2d: {  	v59 =	vshll.u32 v3, $0x3  }
0x2e: {  	v3 =	vand.u32 $0x7, v3;
	v4 =	vand.u32 $0xFFFFFFC0, v59  }
0x2f: {  	v3 =	vor.u32 v3, v4  }
0x30: {  	v4 =	vperm.xlane v3, v0;
	_ =	sdelay $0x1  }
0x31: {  	v4 =	vadd.s32 v1, v4;
	_ =	sdelay $0x3  }
0x32: {  	s16 =	simm.s32 $0x4100  }
0x33: {  	[tilespmem:s16], [sflag:$0x1] =	stream.indirect_vreg.gather [hbm4b:s1+s3], $0x80, v4, vm0, $0xb8;
	[tilespmem:$0x14100] =	vst v63  }
0x34: {  	v3 =	vperm.xlane v3, v2;
	s16 =	simm.s32 $0x4900  }
0x35: {  	[tilespmem:s16], [sflag:$0x1] =	stream.indirect_vreg.gather [hbm4b:s7+s3], $0x80, v4, vm0, $0xb8;
	[tilespmem:$0x14100] =	vst v63  }
0x36: {  	v3 =	vadd.s32 v1, v3;
	s16 =	simm.s32 $0x5100  }
0x37: {  	[tilespmem:s16], [sflag:$0x1] =	stream.indirect_vreg.gather [hbm4b:s8+s3], $0x80, v4, vm0, $0xb8;
	[tilespmem:$0x14100] =	vst v63  }
0x38: {  	s16 =	simm.s32 $0x5900  }
0x39: {  	[tilespmem:s16], [sflag:$0x1] =	stream.indirect_vreg.gather [hbm4b:s9+s3], $0x80, v4, vm0, $0xb8;
	[tilespmem:$0x14100] =	vst v63  }
0x3a: {  	s16 =	simm.s32 $0x6100  }
0x3b: {  	[tilespmem:s16], [sflag:$0x1] =	stream.indirect_vreg.gather [hbm4b:s1+s3], $0x80, v3, vm0, $0xb8;
	[tilespmem:$0x14100] =	vst v63  }
0x3c: {  	s16 =	simm.s32 $0x6900  }
0x3d: {  	[tilespmem:s16], [sflag:$0x1] =	stream.indirect_vreg.gather [hbm4b:s7+s3], $0x80, v3, vm0, $0xb8;
	[tilespmem:$0x14100] =	vst v63  }
0x3e: {  	s16 =	simm.s32 $0x7100  }
0x3f: {  	[tilespmem:s16], [sflag:$0x1] =	stream.indirect_vreg.gather [hbm4b:s8+s3], $0x80, v3, vm0, $0xb8;
	[tilespmem:$0x14100] =	vst v63  }
0x40: {  	s16 =	simm.s32 $0x7900  }
0x41: {  	[tilespmem:s16], [sflag:$0x1] =	stream.indirect_vreg.gather [hbm4b:s9+s3], $0x80, v3, vm0, $0xb8;
	[tilespmem:$0x14100] =	vst v63  }
0x42: {  	v3 =	vld.msk [tilespmem:s6+$0x20], $0xff;
	_ =	sdelay $0x4  }
0x43: {  	v60 =	vshll.u32 v3, $0x3  }
0x44: {  	v3 =	vand.u32 $0x7, v3;
	v4 =	vand.u32 $0xFFFFFFC0, v60  }
0x45: {  	v3 =	vor.u32 v3, v4  }
0x46: {  	v3 =	vperm.xlane v3, v0;
	_ =	sdelay $0x1  }
0x47: {  	v3 =	vadd.s32 v1, v3;
	_ =	sdelay $0x3  }
0x48: {  	s16 =	simm.s32 $0x8100  }
0x49: {  	[tilespmem:s16], [sflag:$0x1] =	stream.indirect_vreg.gather [hbm4b:s1+s3], $0x80, v3, vm0, $0xb8;
	[tilespmem:$0x14100] =	vst v63  }
0x4a: {  	s16 =	simm.s32 $0x8900  }
0x4b: {  	[tilespmem:s16], [sflag:$0x1] =	stream.indirect_vreg.gather [hbm4b:s7+s3], $0x80, v3, vm0, $0xb8;
	[tilespmem:$0x14100] =	vst v63  }
0x4c: {  	s16 =	simm.s32 $0x9100  }
0x4d: {  	[tilespmem:s16], [sflag:$0x1] =	stream.indirect_vreg.gather [hbm4b:s8+s3], $0x80, v3, vm0, $0xb8;
	[tilespmem:$0x14100] =	vst v63  }
0x4e: {  	s10 =	sor.u32 $0x28, s6;
	s16 =	simm.s32 $0x9900  }
0x4f: {  	[tilespmem:s16], [sflag:$0x1] =	stream.indirect_vreg.gather [hbm4b:s9+s3], $0x80, v3, vm0, $0xb8;
	[tilespmem:$0x14100] =	vst v63  }
0x50: {  	v3 =	vld [tilespmem:s10+$0x0];
	_ =	sdelay $0x4  }
0x51: {  	v61 =	vshll.u32 v3, $0x3  }
0x52: {  	v3 =	vand.u32 $0x7, v3;
	v4 =	vand.u32 $0xFFFFFFC0, v61  }
0x53: {  	v3 =	vor.u32 v3, v4  }
0x54: {  	v4 =	vperm.xlane v3, v0;
	_ =	sdelay $0x1  }
0x55: {  	v4 =	vadd.s32 v1, v4;
	_ =	sdelay $0x4  }
0x56: {  	[tilespmem:s0], [sflag:$0x2] =	stream.indirect_vreg.gather [hbm4b:s1+s3], $0x80, v4, vm0, $0xb8;
	[tilespmem:$0x14100] =	vst v63  }
0x57: {  	s16 =	simm.s32 $0xA900;
	v3 =	vperm.xlane v3, v2  }
0x58: {  	[tilespmem:s16], [sflag:$0x2] =	stream.indirect_vreg.gather [hbm4b:s7+s3], $0x80, v4, vm0, $0xb8;
	[tilespmem:$0x14100] =	vst v63  }
0x59: {  	v3 =	vadd.s32 v1, v3;
	s16 =	simm.s32 $0xB100  }
0x5a: {  	[tilespmem:s16], [sflag:$0x2] =	stream.indirect_vreg.gather [hbm4b:s8+s3], $0x80, v4, vm0, $0xb8;
	[tilespmem:$0x14100] =	vst v63  }
0x5b: {  	s16 =	simm.s32 $0xB900  }
0x5c: {  	[tilespmem:s16], [sflag:$0x2] =	stream.indirect_vreg.gather [hbm4b:s9+s3], $0x80, v4, vm0, $0xb8;
	[tilespmem:$0x14100] =	vst v63  }
0x5d: {  	_ = 	snop  }
0x5e: {  	[tilespmem:s17], [sflag:$0x2] =	stream.indirect_vreg.gather [hbm4b:s1+s3], $0x80, v3, vm0, $0xb8;
	[tilespmem:$0x14100] =	vst v63  }
0x5f: {  	_ = 	snop  }
0x60: {  	[tilespmem:s18], [sflag:$0x2] =	stream.indirect_vreg.gather [hbm4b:s7+s3], $0x80, v3, vm0, $0xb8;
	[tilespmem:$0x14100] =	vst v63  }
0x61: {  	_ = 	snop  }
0x62: {  	[tilespmem:s19], [sflag:$0x2] =	stream.indirect_vreg.gather [hbm4b:s8+s3], $0x80, v3, vm0, $0xb8;
	[tilespmem:$0x14100] =	vst v63  }
0x63: {  	_ = 	snop  }
0x64: {  	[tilespmem:s20], [sflag:$0x2] =	stream.indirect_vreg.gather [hbm4b:s9+s3], $0x80, v3, vm0, $0xb8;
	[tilespmem:$0x14100] =	vst v63  }
0x65: {  	v3 =	vld [tilespmem:s6+$0x38];
	_ =	sdelay $0x4  }
0x66: {  	v62 =	vshll.u32 v3, $0x3  }
0x67: {  	v3 =	vand.u32 $0x7, v3;
	v4 =	vand.u32 $0xFFFFFFC0, v62  }
0x68: {  	v3 =	vor.u32 v3, v4  }
0x69: {  	v4 =	vperm.xlane v3, v0;
	_ =	sdelay $0x1  }
0x6a: {  	v4 =	vadd.s32 v1, v4;
	_ =	sdelay $0x4  }
0x6b: {  	[tilespmem:s21], [sflag:$0x2] =	stream.indirect_vreg.gather [hbm4b:s1+s3], $0x80, v4, vm0, $0xb8;
	[tilespmem:$0x14100] =	vst v63  }
0x6c: {  	v3 =	vperm.xlane v3, v2  }
0x6d: {  	[tilespmem:s22], [sflag:$0x2] =	stream.indirect_vreg.gather [hbm4b:s7+s3], $0x80, v4, vm0, $0xb8;
	[tilespmem:$0x14100] =	vst v63  }
0x6e: {  	v3 =	vadd.s32 v1, v3  }
0x6f: {  	[tilespmem:s23], [sflag:$0x2] =	stream.indirect_vreg.gather [hbm4b:s8+s3], $0x80, v4, vm0, $0xb8;
	[tilespmem:$0x14100] =	vst v63  }
0x70: {  	_ = 	snop  }
0x71: {  	[tilespmem:s24], [sflag:$0x2] =	stream.indirect_vreg.gather [hbm4b:s9+s3], $0x80, v4, vm0, $0xb8;
	[tilespmem:$0x14100] =	vst v63  }
0x72: {  	_ = 	snop  }
0x73: {  	[tilespmem:s25], [sflag:$0x2] =	stream.indirect_vreg.gather [hbm4b:s1+s3], $0x80, v3, vm0, $0xb8;
	[tilespmem:$0x14100] =	vst v63  }
0x74: {  	_ = 	snop  }
0x75: {  	[tilespmem:s26], [sflag:$0x2] =	stream.indirect_vreg.gather [hbm4b:s7+s3], $0x80, v3, vm0, $0xb8;
	[tilespmem:$0x14100] =	vst v63  }
0x76: {  	_ = 	snop  }
0x77: {  	[tilespmem:s28], [sflag:$0x2] =	stream.indirect_vreg.gather [hbm4b:s8+s3], $0x80, v3, vm0, $0xb8;
	[tilespmem:$0x14100] =	vst v63  }
0x78: {  	_ = 	snop  }
0x79: {  	[tilespmem:s29], [sflag:$0x2] =	stream.indirect_vreg.gather [hbm4b:s9+s3], $0x80, v3, vm0, $0xb8;
	[tilespmem:$0x14100] =	vst v63  }
0x7a: {  	v3 =	vld.msk [tilespmem:s6+$0x48], $0xff;
	_ =	sdelay $0x4  }
0x7b: {  	v63 =	vshll.u32 v3, $0x3  }
0x7c: {  	v3 =	vand.u32 $0x7, v3;
	v4 =	vand.u32 $0xFFFFFFC0, v63  }
0x7d: {  	v3 =	vor.u32 v3, v4  }
0x7e: {  	v3 =	vperm.xlane v3, v0;
	_ =	sdelay $0x1  }
0x7f: {  	v3 =	vadd.s32 v1, v3;
	_ =	sdelay $0x4  }
0x80: {  	[tilespmem:s30], [sflag:$0x2] =	stream.indirect_vreg.gather [hbm4b:s1+s3], $0x80, v3, vm0, $0xb8;
	[tilespmem:$0x14100] =	vst v63  }
0x81: {  	_ = 	snop  }
0x82: {  	[tilespmem:s13], [sflag:$0x2] =	stream.indirect_vreg.gather [hbm4b:s7+s3], $0x80, v3, vm0, $0xb8;
	[tilespmem:$0x14100] =	vst v63  }
0x83: {  	_ = 	snop  }
0x84: {  	[tilespmem:s14], [sflag:$0x2] =	stream.indirect_vreg.gather [hbm4b:s8+s3], $0x80, v3, vm0, $0xb8;
	[tilespmem:$0x14100] =	vst v63  }
0x85: {  	_ = 	snop  }
0x86: {  	[tilespmem:s15], [sflag:$0x2] =	stream.indirect_vreg.gather [hbm4b:s9+s3], $0x80, v3, vm0, $0xb8;
	[tilespmem:$0x14100] =	vst v63  }
0x87: {  	s16 =	sadd.s32 s4, s6;
	_ =	swait.ge [sflag:s31], $0xA000  }
0x88: {  	s6 =	sshll.u32 s16, $0x7;
	[sflag:s31] =	ssyncset.done $0x0  }
0x89: {  	s6 =	sadd.s32 s5, s6;
	[sflag:s31] =	ssyncadd.s32 $0xFFFF6000  }
0x8a: {  	[hbm4b:s6+s3] =	stream.linear.scatter [tilespmem:s12], [sflag:$0x3], $0xA000, $0x38;
	[tilespmem:$0x14100] =	vst v63  }
0x8b: {  	_ =	swait.ge [sflag:s11], $0xA000  }
0x8c: {  	[sflag:s11] =	ssyncset.done $0x0  }
0x8d: {  	[sflag:s11] =	ssyncadd.s32 $0xFFFF6000  }
0x8e: {  	s16 =	sadd.s32 s4, s10;
	_ =	swait.ge [sflag:s2], $0xA000  }
0x8f: {  	p1 =	por p0, p0;
	s6 =	sshll.u32 s16, $0x7;
	[sflag:s2] =	ssyncset.done $0x0  }
.Ltmp0:
0x90: {  	s6 =	sadd.s32 s5, s6;
	[sflag:s2] =	ssyncadd.s32 $0xFFFF6000;
	(pc) =	sbr.rel @p1 .LBB2_2-.Ltmp0, $4  }
0x91: {  	[hbm4b:s6+s3] =	stream.linear.scatter [tilespmem:s0], [sflag:$0x3], $0xA000, $0x38;
	[tilespmem:$0x14100] =	vst v63  }
0x92: {  	_ =	swait.ge [sflag:s11], $0xA000  }
0x93: {  	p0 =	por $0x0, $0x0;
	[sflag:s11] =	ssyncset.done $0x0  }
0x94: {  	s10 =	simm.s32 $0x900;
	s6 =	simm.s32 $0x50;
	[sflag:s11] =	ssyncadd.s32 $0xFFFF6000  }
0x95: {  	s13 =	rddreg [dreg:$0x6]  }
0x96: {  	s6 =	rddreg [dreg:$0x5];
	s13 =	sadd.s32 $0x1, s13  }
0x97: {  	p0 =	sne.s32 s13, s6  }
.Ltmp1:
0x98: {  	_ = 	snop;
	(pc) =	sbr.rel @p0 .LBB2_1-.Ltmp1, $1  }
0x99: {  	_ =	sdelay $0x3  }
0x9a: {  	_ =	sfence.sel $0x180000  }
0x9b: {  	[bflag:$0x0] =	sbarrier.arrive $0xFFFF  }
0x9c: {  	_ =	strace $0x9000004A  }
0x9d: {  	s0 =	stileid.u32;
	[bflag:$0x2] =	sbarrier.arrive $0xFFFF  }
0x9e: {  	p0 =	sne.s32 s0, $0x0;
	s0 =	rddreg [dreg:$0x3]  }
0x9f: {  	s0 =	sadd.s32 @!p0 $0x100000, s0  }
0xa0: {  	[sflag:s0] =	ssyncadd.tile.s32 @!p0 $0x1;
	_ =	shalt  }
.Lfunc_end2:
_tile_overlayer_lowered:
.L_overlay_start_2:
0xa1: {  	(tag) =	ssettag $0x2  }
0xa2: {  	s0 =	rddreg [dreg:$0x0];
	s2 =	stileid.u32  }
0xa3: {  	s1 =	rddreg [dreg:$0x1];
	p0 =	sne.s32 s2, $0x0  }
0xa4: {  	s3 =	rddreg [dreg:$0x2];
	[bflag:$0x3] =	sbarrier.arrive $0xFFFF;
	s2 =	simm.s32 @!p0 $0x1C03  }
0xa5: {  	[timem:s3], [sflag:s2] =	dma.local @!p0 [hbm:s0], s1  }
0xa6: {  	s0 =	simm.s32 @!p0 $0x3  }
0xa7: {  	_ =	swait.ge @!p0 [sflag:s0], s1  }
0xa8: {  	s1 =	ssub.s32 @!p0 $0x0, s1;
	[sflag:s0] =	ssyncset.done @!p0 $0x0  }
0xa9: {  	[sflag:s0] =	ssyncadd.s32 @!p0 s1  }
0xaa: {  	[bflag:$0x3] =	sbarrier.arrive $0xFFFF  }
0xab: {  	_ =	shalt  }

</sc_bundles>
